<compile_context>
chip_gen: v7x
topology: tpu7x:2x2x1
jax: 0.10.2.dev20260603
libtpu: 0.0.44.dev20260713+nightly
codegen_flags: <defaults>
</compile_context>

<pallas_src>
import functools

import jax
import jax.numpy as jnp
from jax import lax
from jax.experimental import pallas as pl
from jax.experimental.pallas import tpu as pltpu
from jax.experimental.pallas import tpu_sc as plsc

L = 16
NS = 16
NC = 1
NW = NC * NS
_MAGIC = 2.0 ** 23


def _build_sc_call(B, C, H, W, O):
    pairs_per_w = (B * O) // NW
    elems_per_w = pairs_per_w * C
    n_chunks = pairs_per_w // L
    rows_per_chunk = C * L

    mesh = plsc.VectorSubcoreMesh(
        core_axis_name="c", subcore_axis_name="s", num_cores=NC, num_subcores=NS
    )

    @functools.partial(
        pl.kernel,
        out_type=(
            jax.ShapeDtypeStruct((NW * L,), jnp.float32),
            jax.ShapeDtypeStruct((NW * L,), jnp.float32),
        ),
        mesh=mesh,
        compiler_params=pltpu.CompilerParams(
            needs_layout_passes=False, skip_device_barrier=True),
        scratch_types=[
            pltpu.VMEM((pairs_per_w,), jnp.float32),
            pltpu.VMEM((pairs_per_w,), jnp.float32),
            pltpu.VMEM((pairs_per_w,), jnp.int32),
            pltpu.VMEM((pairs_per_w,), jnp.float32),
            pltpu.VMEM((pairs_per_w,), jnp.int32),
            pltpu.VMEM((elems_per_w,), jnp.float32),
            pltpu.VMEM((n_chunks, rows_per_chunk), jnp.int32),
            [pltpu.VMEM((rows_per_chunk, W), jnp.float32)
             for _ in range(n_chunks)],
            pltpu.VMEM((L,), jnp.float32),
            pltpu.VMEM((L,), jnp.float32),
            pltpu.SemaphoreType.DMA,
            pltpu.SemaphoreType.DMA,
        ],
    )
    def sc_call(map_hbm, u_hbm, v_hbm, vis_hbm, s_hbm, psum_hbm, pcnt_hbm,
                u_v, v_v, vis_v, m_v, col_v, s_v, row_v, bufs,
                stage_sum, stage_cnt, sem, sem_in):
        wid = lax.axis_index("s") * NC + lax.axis_index("c")
        base = wid * pairs_per_w

        in_cps = [
            pltpu.async_copy(u_hbm.at[pl.ds(base, pairs_per_w)], u_v, sem_in),
            pltpu.async_copy(v_hbm.at[pl.ds(base, pairs_per_w)], v_v, sem_in),
            pltpu.async_copy(vis_hbm.at[pl.ds(base, pairs_per_w)], vis_v,
                             sem_in),
        ]
        s_cp = pltpu.async_copy(
            s_hbm.at[pl.ds(base * C, elems_per_w)], s_v, sem_in)
        for cp in in_cps:
            cp.wait()

        row_base = (base // O) * (C * H)
        wf = jnp.float32(W)
        hf = jnp.float32(H)
        for k in range(n_chunks):
            uu = u_v[pl.ds(k * L, L)]
            vv = v_v[pl.ds(k * L, L)]
            x_f = (uu * wf + _MAGIC) - _MAGIC
            y_f = (vv * hf + _MAGIC) - _MAGIC
            x_i = x_f.astype(jnp.int32)
            y_i = y_f.astype(jnp.int32)
            inb = ((x_i >= 0) & (x_i < W)) & ((y_i >= 0) & (y_i < H))
            visb = vis_v[pl.ds(k * L, L)] != 0
            m = inb & visb
            y_i = jnp.where(m, y_i, 0)
            m_v[pl.ds(k * L, L)] = jnp.where(m, jnp.float32(1.0),
                                             jnp.float32(0.0))
            col_v[pl.ds(k * L, L)] = jnp.where(m, x_i, 0)
            for c in range(C):
                row_v[k, pl.ds(c * L, L)] = y_i + (row_base + c * H)

        cps = [
            pltpu.async_copy(map_hbm.at[row_v.at[k]], bufs[k], sem)
            for k in range(n_chunks)
        ]

        s_cp.wait()
        acc = jnp.zeros((L,), jnp.float32)
        cnt = jnp.zeros((L,), jnp.float32)
        lanes = lax.iota(jnp.int32, L)
        for k in range(n_chunks):
            cps[k].wait()
            mk = m_v[pl.ds(k * L, L)]
            cols = col_v[pl.ds(k * L, L)]
            cnt = cnt + mk
            for c in range(C):
                g16 = plsc.load_gather(bufs[k], [lanes + c * L, cols])
                s16 = s_v[pl.ds(c * pairs_per_w + k * L, L)]
                acc = acc + jnp.abs(g16 - s16) * mk

        stage_sum[...] = acc
        stage_cnt[...] = cnt
        out_cps = [
            pltpu.async_copy(stage_sum, psum_hbm.at[pl.ds(wid * L, L)],
                             sem_in),
            pltpu.async_copy(stage_cnt, pcnt_hbm.at[pl.ds(wid * L, L)],
                             sem_in),
        ]
        for cp in out_cps:
            cp.wait()

    return sc_call


def _reduce_body(psum_ref, pcnt_ref, out_ref, C):
    total = jnp.sum(psum_ref[...])
    cnt = jnp.sum(pcnt_ref[...])
    denom = jnp.maximum(cnt * jnp.float32(C), jnp.float32(1.0))
    out_ref[...] = jnp.full(out_ref.shape, total / denom, jnp.float32)


def kernel(scale_map, visibility, keypoint_2d, scale):
    B, C, H, W = scale_map.shape
    O = visibility.shape[1]
    map_rows = scale_map.reshape(B * C * H, W)
    cu = keypoint_2d[:, :, 0, 0].reshape(-1)
    cv = keypoint_2d[:, :, 0, 1].reshape(-1)
    vis = visibility.reshape(-1)
    ppw = (B * O) // NW
    scale_t = jnp.transpose(
        scale.reshape(B * O // ppw, ppw, C), (0, 2, 1)).reshape(-1)
    sc_call = _build_sc_call(B, C, H, W, O)
    psum, pcnt = sc_call(map_rows, cu, cv, vis, scale_t)

    out = pl.pallas_call(
        functools.partial(_reduce_body, C=C),
        out_shape=jax.ShapeDtypeStruct((8, 128), jnp.float32),
    )(psum, pcnt)
    return out[0, 0]

# --- scband reference (transcript-rebuilt; emitter-appended) ---
"""Pipeline reference for scband-keypoint-scale-loss-50087908606169 (READ-ONLY COPY).

The authoritative reference and input builder live on the scoring server;
editing this copy changes nothing except your own understanding.
"""

import jax, jax.numpy as jnp
import numpy as np


def setup_inputs(seed: int = 0) -> dict:
    key = jax.random.key(seed)
    k1, k2, k3, k4 = jax.random.split(key, 4)
    B, C, H, W, O, K = 16, 3, 512, 512, 64, 21
    scale_map = jax.random.normal(k1, (B, C, H, W), dtype=jnp.float32)
    visibility = jax.random.randint(k2, (B, O, 1), 0, 2).astype(jnp.int32)
    keypoint_2d = jax.random.uniform(k3, (B, O, K, 3), dtype=jnp.float32)
    scale = jax.random.normal(k4, (B, O, C), dtype=jnp.float32)
    return {"scale_map": scale_map, "visibility": visibility, "keypoint_2d": keypoint_2d, "scale": scale}


def reference(scale_map, visibility, keypoint_2d, scale):
    h, w = scale_map.shape[-2:]
    vis = visibility.astype(bool)[..., 0]
    center_uv = keypoint_2d[..., 0, :2]
    scale_xy_f = jnp.array([w, h], dtype=jnp.float32)
    scale_xy_i = jnp.array([w, h], dtype=jnp.int32)
    center_xy = jnp.round(center_uv * scale_xy_f).astype(jnp.int32)
    j = center_xy[..., 0]
    i = center_xy[..., 1]
    flat_index = i * w + j
    in_bound = jnp.all(jnp.logical_and(center_xy >= 0, center_xy < scale_xy_i), axis=-1)
    vis = jnp.logical_and(vis, in_bound)
    flat_index = jnp.where(vis, flat_index, 0)
    shape = scale_map.shape
    X = scale_map.reshape(shape[:-2] + (-1,))
    I = jnp.broadcast_to(flat_index[:, None, :], (shape[0], shape[1]) + tuple(flat_index.shape[1:]))
    scale_output = jnp.take_along_axis(X, I, axis=-1).transpose(0, 2, 1)
    # L1Loss over visible entries: masked mean (mathematically identical to
    # F.l1_loss(scale_output[V], scale_target[V]))
    diff = jnp.abs(scale_output - scale)
    m = vis.astype(jnp.float32)[..., None]
    denom = jnp.maximum(m.sum() * jnp.float32(scale.shape[-1]), 1.0)
    return (diff * m).sum() / denom

if __name__ == "__main__":
    import jax
    _d = setup_inputs()
    print(jax.jit(kernel)(*tuple(_d.values())))

</pallas_src>

<mosaic_0001>
#map = affine_map<(d0, d1) -> (0, 0)>
#map1 = affine_map<(d0, d1) -> (0)>
module attributes {stable_mosaic.version = 14 : i64} {
  func.func @sc_call(%arg0: i32, %arg1: i32, %arg2: memref<24576x512xf32, #tpu.memory_space<hbm>>, %arg3: memref<1024xf32, #tpu.memory_space<hbm>>, %arg4: memref<1024xf32, #tpu.memory_space<hbm>>, %arg5: memref<1024xi32, #tpu.memory_space<hbm>>, %arg6: memref<3072xf32, #tpu.memory_space<hbm>>, %arg7: memref<256xf32, #tpu.memory_space<hbm>>, %arg8: memref<256xf32, #tpu.memory_space<hbm>>, %arg9: memref<64xf32, #tpu.memory_space<vmem>>, %arg10: memref<64xf32, #tpu.memory_space<vmem>>, %arg11: memref<64xi32, #tpu.memory_space<vmem>>, %arg12: memref<64xf32, #tpu.memory_space<vmem>>, %arg13: memref<64xi32, #tpu.memory_space<vmem>>, %arg14: memref<192xf32, #tpu.memory_space<vmem>>, %arg15: memref<4x48xi32, #tpu.memory_space<vmem>>, %arg16: memref<48x512xf32, #tpu.memory_space<vmem>>, %arg17: memref<48x512xf32, #tpu.memory_space<vmem>>, %arg18: memref<48x512xf32, #tpu.memory_space<vmem>>, %arg19: memref<48x512xf32, #tpu.memory_space<vmem>>, %arg20: memref<16xf32, #tpu.memory_space<vmem>>, %arg21: memref<16xf32, #tpu.memory_space<vmem>>, %arg22: memref<!tpu.dma_semaphore, #tpu.memory_space<semaphore_mem>>, %arg23: memref<!tpu.dma_semaphore, #tpu.memory_space<semaphore_mem>>) attributes {dimension_semantics = [#tpu.dimension_semantics<core_parallel>, #tpu.dimension_semantics<subcore_parallel>], iteration_bounds = array<i64: 1, 16>, scalar_prefetch = 0 : i64, scratch_operands = 15 : i64, tpu.core_type = #tpu.core_type<sc_vector_subcore>, window_params = [{transform_indices = #map}, {transform_indices = #map1}, {transform_indices = #map1}, {transform_indices = #map1}, {transform_indices = #map1}, {transform_indices = #map1}, {transform_indices = #map1}]} {
    %mul3A = arith.constant 1 : i32
    %mul3A_0 = arith.muli %arg1, %mul3A : i32
    %add3A = arith.addi %mul3A_0, %arg0 : i32
    %mul3A_1 = arith.constant 64 : i32
    %mul3A_2 = arith.muli %add3A, %mul3A_1 : i32
    %dma_start3A = tpu.memref_slice %arg3[%mul3A_2] : memref<1024xf32, #tpu.memory_space<hbm>> -> memref<64xf32, #tpu.memory_space<hbm>>
    %dma_start3A_3 = tpu.memref_slice %arg3[%mul3A_2] : memref<1024xf32, #tpu.memory_space<hbm>> -> memref<64xf32, #tpu.memory_space<hbm>>
    tpu.enqueue_dma source(%dma_start3A_3 : memref<64xf32, #tpu.memory_space<hbm>>) target(%arg9 : memref<64xf32, #tpu.memory_space<vmem>>) target_semaphore(%arg23 : memref<!tpu.dma_semaphore, #tpu.memory_space<semaphore_mem>>)
    %dma_start3A_4 = tpu.memref_slice %arg4[%mul3A_2] : memref<1024xf32, #tpu.memory_space<hbm>> -> memref<64xf32, #tpu.memory_space<hbm>>
    %dma_start3A_5 = tpu.memref_slice %arg4[%mul3A_2] : memref<1024xf32, #tpu.memory_space<hbm>> -> memref<64xf32, #tpu.memory_space<hbm>>
    tpu.enqueue_dma source(%dma_start3A_5 : memref<64xf32, #tpu.memory_space<hbm>>) target(%arg10 : memref<64xf32, #tpu.memory_space<vmem>>) target_semaphore(%arg23 : memref<!tpu.dma_semaphore, #tpu.memory_space<semaphore_mem>>)
    %dma_start3A_6 = tpu.memref_slice %arg5[%mul3A_2] : memref<1024xi32, #tpu.memory_space<hbm>> -> memref<64xi32, #tpu.memory_space<hbm>>
    %dma_start3A_7 = tpu.memref_slice %arg5[%mul3A_2] : memref<1024xi32, #tpu.memory_space<hbm>> -> memref<64xi32, #tpu.memory_space<hbm>>
    tpu.enqueue_dma source(%dma_start3A_7 : memref<64xi32, #tpu.memory_space<hbm>>) target(%arg11 : memref<64xi32, #tpu.memory_space<vmem>>) target_semaphore(%arg23 : memref<!tpu.dma_semaphore, #tpu.memory_space<semaphore_mem>>)
    %mul3A_8 = arith.constant 3 : i32
    %mul3A_9 = arith.muli %mul3A_2, %mul3A_8 : i32
    %dma_start3A_10 = tpu.memref_slice %arg6[%mul3A_9] : memref<3072xf32, #tpu.memory_space<hbm>> -> memref<192xf32, #tpu.memory_space<hbm>>
    %dma_start3A_11 = tpu.memref_slice %arg6[%mul3A_9] : memref<3072xf32, #tpu.memory_space<hbm>> -> memref<192xf32, #tpu.memory_space<hbm>>
    tpu.enqueue_dma source(%dma_start3A_11 : memref<192xf32, #tpu.memory_space<hbm>>) target(%arg14 : memref<192xf32, #tpu.memory_space<vmem>>) target_semaphore(%arg23 : memref<!tpu.dma_semaphore, #tpu.memory_space<semaphore_mem>>)
    %dma_wait3A = tpu.memref_slice %arg3[%mul3A_2] : memref<1024xf32, #tpu.memory_space<hbm>> -> memref<64xf32, #tpu.memory_space<hbm>>
    %dma_wait3A_12 = tpu.memref_slice %arg3[%mul3A_2] : memref<1024xf32, #tpu.memory_space<hbm>> -> memref<64xf32, #tpu.memory_space<hbm>>
    tpu.wait_dma2 semaphore(%arg23 : memref<!tpu.dma_semaphore, #tpu.memory_space<semaphore_mem>>) src(%dma_wait3A_12 : memref<64xf32, #tpu.memory_space<hbm>>) dst(%arg9 : memref<64xf32, #tpu.memory_space<vmem>>)
    %dma_wait3A_13 = tpu.memref_slice %arg4[%mul3A_2] : memref<1024xf32, #tpu.memory_space<hbm>> -> memref<64xf32, #tpu.memory_space<hbm>>
    %dma_wait3A_14 = tpu.memref_slice %arg4[%mul3A_2] : memref<1024xf32, #tpu.memory_space<hbm>> -> memref<64xf32, #tpu.memory_space<hbm>>
    tpu.wait_dma2 semaphore(%arg23 : memref<!tpu.dma_semaphore, #tpu.memory_space<semaphore_mem>>) src(%dma_wait3A_14 : memref<64xf32, #tpu.memory_space<hbm>>) dst(%arg10 : memref<64xf32, #tpu.memory_space<vmem>>)
    %dma_wait3A_15 = tpu.memref_slice %arg5[%mul3A_2] : memref<1024xi32, #tpu.memory_space<hbm>> -> memref<64xi32, #tpu.memory_space<hbm>>
    %dma_wait3A_16 = tpu.memref_slice %arg5[%mul3A_2] : memref<1024xi32, #tpu.memory_space<hbm>> -> memref<64xi32, #tpu.memory_space<hbm>>
    tpu.wait_dma2 semaphore(%arg23 : memref<!tpu.dma_semaphore, #tpu.memory_space<semaphore_mem>>) src(%dma_wait3A_16 : memref<64xi32, #tpu.memory_space<hbm>>) dst(%arg11 : memref<64xi32, #tpu.memory_space<vmem>>)
    %jit3A = arith.constant 64 : i32
    %div3A = arith.divsi %mul3A_2, %jit3A : i32
    %sign3A = arith.constant 0 : i32
    %sign3A_17 = arith.cmpi sgt, %mul3A_2, %sign3A : i32
    %sign3A_18 = arith.extui %sign3A_17 : i1 to i32
    %sign3A_19 = arith.constant 0 : i32
    %sign3A_20 = arith.cmpi slt, %mul3A_2, %sign3A_19 : i32
    %sign3A_21 = arith.extui %sign3A_20 : i1 to i32
    %sign3A_22 = arith.subi %sign3A_18, %sign3A_21 : i32
    %sign3A_23 = arith.constant 0 : i32
    %sign3A_24 = arith.cmpi sgt, %jit3A, %sign3A_23 : i32
    %sign3A_25 = arith.extui %sign3A_24 : i1 to i32
    %sign3A_26 = arith.constant 0 : i32
    %sign3A_27 = arith.cmpi slt, %jit3A, %sign3A_26 : i32
    %sign3A_28 = arith.extui %sign3A_27 : i1 to i32
    %sign3A_29 = arith.subi %sign3A_25, %sign3A_28 : i32
    %ne3A = arith.cmpi ne, %sign3A_22, %sign3A_29 : i32
    %rem3A = arith.remsi %mul3A_2, %jit3A : i32
    %ne3A_30 = arith.constant 0 : i32
    %ne3A_31 = arith.cmpi ne, %rem3A, %ne3A_30 : i32
    %and3A = arith.andi %ne3A, %ne3A_31 : i1
    %sub3A = arith.constant 1 : i32
    %sub3A_32 = arith.subi %div3A, %sub3A : i32
    %select_n3A = arith.select %and3A, %sub3A_32, %div3A : i32
    %mul3A_33 = arith.constant 1536 : i32
    %mul3A_34 = arith.muli %select_n3A, %mul3A_33 : i32
    %get3A = arith.constant 0 : index
    %get3A_35 = tpu.vector_load %arg9[%get3A] {strides = array<i32>} : memref<64xf32, #tpu.memory_space<vmem>>, vector<16xf32>,
    %get3A_36 = arith.constant 0 : index
    %get3A_37 = tpu.vector_load %arg10[%get3A_36] {strides = array<i32>} : memref<64xf32, #tpu.memory_space<vmem>>, vector<16xf32>,
    %mul3A_38 = arith.constant 5.120000e+02 : f32
    %mul3A_39 = vector.broadcast %mul3A_38 : f32 to vector<16xf32>
    %mul3A_40 = arith.mulf %get3A_35, %mul3A_39 : vector<16xf32>
    %add3A_41 = arith.constant 0x4B000000 : f32
    %add3A_42 = vector.broadcast %add3A_41 : f32 to vector<16xf32>
    %add3A_43 = arith.addf %mul3A_40, %add3A_42 : vector<16xf32>
    %sub3A_44 = arith.constant 0x4B000000 : f32
    %sub3A_45 = vector.broadcast %sub3A_44 : f32 to vector<16xf32>
    %sub3A_46 = arith.subf %add3A_43, %sub3A_45 : vector<16xf32>
    %mul3A_47 = arith.constant 5.120000e+02 : f32
    %mul3A_48 = vector.broadcast %mul3A_47 : f32 to vector<16xf32>
    %mul3A_49 = arith.mulf %get3A_37, %mul3A_48 : vector<16xf32>
    %add3A_50 = arith.constant 0x4B000000 : f32
    %add3A_51 = vector.broadcast %add3A_50 : f32 to vector<16xf32>
    %add3A_52 = arith.addf %mul3A_49, %add3A_51 : vector<16xf32>
    %sub3A_53 = arith.constant 0x4B000000 : f32
    %sub3A_54 = vector.broadcast %sub3A_53 : f32 to vector<16xf32>
    %sub3A_55 = arith.subf %add3A_52, %sub3A_54 : vector<16xf32>
    %convert_element_type3A = arith.fptosi %sub3A_46 : vector<16xf32> to vector<16xi32>
    %convert_element_type3A_56 = arith.fptosi %sub3A_55 : vector<16xf32> to vector<16xi32>
    %ge3A = arith.constant 0 : i32
    %ge3A_57 = vector.broadcast %ge3A : i32 to vector<16xi32>
    %ge3A_58 = arith.cmpi sge, %convert_element_type3A, %ge3A_57 : vector<16xi32>
    %lt3A = arith.constant 512 : i32
    %lt3A_59 = vector.broadcast %lt3A : i32 to vector<16xi32>
    %lt3A_60 = arith.cmpi slt, %convert_element_type3A, %lt3A_59 : vector<16xi32>
    %and3A_61 = arith.andi %ge3A_58, %lt3A_60 : vector<16xi1>
    %ge3A_62 = arith.constant 0 : i32
    %ge3A_63 = vector.broadcast %ge3A_62 : i32 to vector<16xi32>
    %ge3A_64 = arith.cmpi sge, %convert_element_type3A_56, %ge3A_63 : vector<16xi32>
    %lt3A_65 = arith.constant 512 : i32
    %lt3A_66 = vector.broadcast %lt3A_65 : i32 to vector<16xi32>
    %lt3A_67 = arith.cmpi slt, %convert_element_type3A_56, %lt3A_66 : vector<16xi32>
    %and3A_68 = arith.andi %ge3A_64, %lt3A_67 : vector<16xi1>
    %and3A_69 = arith.andi %and3A_61, %and3A_68 : vector<16xi1>
    %get3A_70 = arith.constant 0 : index
    %get3A_71 = tpu.vector_load %arg11[%get3A_70] {strides = array<i32>} : memref<64xi32, #tpu.memory_space<vmem>>, vector<16xi32>,
    %ne3A_72 = arith.constant 0 : i32
    %ne3A_73 = vector.broadcast %ne3A_72 : i32 to vector<16xi32>
    %ne3A_74 = arith.cmpi ne, %get3A_71, %ne3A_73 : vector<16xi32>
    %and3A_75 = arith.andi %and3A_69, %ne3A_74 : vector<16xi1>
    %jit3A_76 = arith.constant 0 : i32
    %broadcast_in_dim3A = vector.broadcast %jit3A_76 : i32 to vector<16xi32>
    %select_n3A_77 = arith.select %and3A_75, %convert_element_type3A_56, %broadcast_in_dim3A : vector<16xi1>, vector<16xi32>
    %jit3A_78 = arith.constant 1.000000e+00 : f32
    %jit3A_79 = arith.constant 0.000000e+00 : f32
    %broadcast_in_dim3A_80 = vector.broadcast %jit3A_78 : f32 to vector<16xf32>
    %broadcast_in_dim3A_81 = vector.broadcast %jit3A_79 : f32 to vector<16xf32>
    %select_n3A_82 = arith.select %and3A_75, %broadcast_in_dim3A_80, %broadcast_in_dim3A_81 : vector<16xi1>, vector<16xf32>
    %swap3A = arith.constant 0 : index
    %swap3A_83 = tpu.vector_load %arg12[%swap3A] {strides = array<i32>} : memref<64xf32, #tpu.memory_space<vmem>>, vector<16xf32>,
    tpu.vector_store %arg12[%swap3A], %select_n3A_82 {strides = array<i32>} : memref<64xf32, #tpu.memory_space<vmem>>, vector<16xf32>,
    %jit3A_84 = arith.constant 0 : i32
    %broadcast_in_dim3A_85 = vector.broadcast %jit3A_84 : i32 to vector<16xi32>
    %select_n3A_86 = arith.select %and3A_75, %convert_element_type3A, %broadcast_in_dim3A_85 : vector<16xi1>, vector<16xi32>
    %swap3A_87 = arith.constant 0 : index
    %swap3A_88 = tpu.vector_load %arg13[%swap3A_87] {strides = array<i32>} : memref<64xi32, #tpu.memory_space<vmem>>, vector<16xi32>,
    tpu.vector_store %arg13[%swap3A_87], %select_n3A_86 {strides = array<i32>} : memref<64xi32, #tpu.memory_space<vmem>>, vector<16xi32>,
    %add3A_89 = arith.constant 0 : i32
    %add3A_90 = arith.addi %mul3A_34, %add3A_89 : i32
    %add3A_91 = vector.broadcast %add3A_90 : i32 to vector<16xi32>
    %add3A_92 = arith.addi %select_n3A_77, %add3A_91 : vector<16xi32>
    %swap3A_93 = arith.constant 0 : i32
    %swap3A_94 = arith.index_cast %swap3A_93 : i32 to index
    %swap3A_95 = arith.constant 0 : index
    %swap3A_96 = tpu.vector_load %arg15[%swap3A_94, %swap3A_95] {strides = array<i32>} : memref<4x48xi32, #tpu.memory_space<vmem>>, vector<16xi32>,
    tpu.vector_store %arg15[%swap3A_94, %swap3A_95], %add3A_92 {strides = array<i32>} : memref<4x48xi32, #tpu.memory_space<vmem>>, vector<16xi32>,
    %add3A_97 = arith.constant 512 : i32
    %add3A_98 = arith.addi %mul3A_34, %add3A_97 : i32
    %add3A_99 = vector.broadcast %add3A_98 : i32 to vector<16xi32>
    %add3A_100 = arith.addi %select_n3A_77, %add3A_99 : vector<16xi32>
    %swap3A_101 = arith.constant 0 : i32
    %swap3A_102 = arith.index_cast %swap3A_101 : i32 to index
    %swap3A_103 = arith.constant 16 : index
    %swap3A_104 = tpu.vector_load %arg15[%swap3A_102, %swap3A_103] {strides = array<i32>} : memref<4x48xi32, #tpu.memory_space<vmem>>, vector<16xi32>,
    tpu.vector_store %arg15[%swap3A_102, %swap3A_103], %add3A_100 {strides = array<i32>} : memref<4x48xi32, #tpu.memory_space<vmem>>, vector<16xi32>,
    %add3A_105 = arith.constant 1024 : i32
    %add3A_106 = arith.addi %mul3A_34, %add3A_105 : i32
    %add3A_107 = vector.broadcast %add3A_106 : i32 to vector<16xi32>
    %add3A_108 = arith.addi %select_n3A_77, %add3A_107 : vector<16xi32>
    %swap3A_109 = arith.constant 0 : i32
    %swap3A_110 = arith.index_cast %swap3A_109 : i32 to index
    %swap3A_111 = arith.constant 32 : index
    %swap3A_112 = tpu.vector_load %arg15[%swap3A_110, %swap3A_111] {strides = array<i32>} : memref<4x48xi32, #tpu.memory_space<vmem>>, vector<16xi32>,
    tpu.vector_store %arg15[%swap3A_110, %swap3A_111], %add3A_108 {strides = array<i32>} : memref<4x48xi32, #tpu.memory_space<vmem>>, vector<16xi32>,
    %get3A_113 = arith.constant 16 : index
    %get3A_114 = tpu.vector_load %arg9[%get3A_113] {strides = array<i32>} : memref<64xf32, #tpu.memory_space<vmem>>, vector<16xf32>,
    %get3A_115 = arith.constant 16 : index
    %get3A_116 = tpu.vector_load %arg10[%get3A_115] {strides = array<i32>} : memref<64xf32, #tpu.memory_space<vmem>>, vector<16xf32>,
    %mul3A_117 = arith.constant 5.120000e+02 : f32
    %mul3A_118 = vector.broadcast %mul3A_117 : f32 to vector<16xf32>
    %mul3A_119 = arith.mulf %get3A_114, %mul3A_118 : vector<16xf32>
    %add3A_120 = arith.constant 0x4B000000 : f32
    %add3A_121 = vector.broadcast %add3A_120 : f32 to vector<16xf32>
    %add3A_122 = arith.addf %mul3A_119, %add3A_121 : vector<16xf32>
    %sub3A_123 = arith.constant 0x4B000000 : f32
    %sub3A_124 = vector.broadcast %sub3A_123 : f32 to vector<16xf32>
    %sub3A_125 = arith.subf %add3A_122, %sub3A_124 : vector<16xf32>
    %mul3A_126 = arith.constant 5.120000e+02 : f32
    %mul3A_127 = vector.broadcast %mul3A_126 : f32 to vector<16xf32>
    %mul3A_128 = arith.mulf %get3A_116, %mul3A_127 : vector<16xf32>
    %add3A_129 = arith.constant 0x4B000000 : f32
    %add3A_130 = vector.broadcast %add3A_129 : f32 to vector<16xf32>
    %add3A_131 = arith.addf %mul3A_128, %add3A_130 : vector<16xf32>
    %sub3A_132 = arith.constant 0x4B000000 : f32
    %sub3A_133 = vector.broadcast %sub3A_132 : f32 to vector<16xf32>
    %sub3A_134 = arith.subf %add3A_131, %sub3A_133 : vector<16xf32>
    %convert_element_type3A_135 = arith.fptosi %sub3A_125 : vector<16xf32> to vector<16xi32>
    %convert_element_type3A_136 = arith.fptosi %sub3A_134 : vector<16xf32> to vector<16xi32>
    %ge3A_137 = arith.constant 0 : i32
    %ge3A_138 = vector.broadcast %ge3A_137 : i32 to vector<16xi32>
    %ge3A_139 = arith.cmpi sge, %convert_element_type3A_135, %ge3A_138 : vector<16xi32>
    %lt3A_140 = arith.constant 512 : i32
    %lt3A_141 = vector.broadcast %lt3A_140 : i32 to vector<16xi32>
    %lt3A_142 = arith.cmpi slt, %convert_element_type3A_135, %lt3A_141 : vector<16xi32>
    %and3A_143 = arith.andi %ge3A_139, %lt3A_142 : vector<16xi1>
    %ge3A_144 = arith.constant 0 : i32
    %ge3A_145 = vector.broadcast %ge3A_144 : i32 to vector<16xi32>
    %ge3A_146 = arith.cmpi sge, %convert_element_type3A_136, %ge3A_145 : vector<16xi32>
    %lt3A_147 = arith.constant 512 : i32
    %lt3A_148 = vector.broadcast %lt3A_147 : i32 to vector<16xi32>
    %lt3A_149 = arith.cmpi slt, %convert_element_type3A_136, %lt3A_148 : vector<16xi32>
    %and3A_150 = arith.andi %ge3A_146, %lt3A_149 : vector<16xi1>
    %and3A_151 = arith.andi %and3A_143, %and3A_150 : vector<16xi1>
    %get3A_152 = arith.constant 16 : index
    %get3A_153 = tpu.vector_load %arg11[%get3A_152] {strides = array<i32>} : memref<64xi32, #tpu.memory_space<vmem>>, vector<16xi32>,
    %ne3A_154 = arith.constant 0 : i32
    %ne3A_155 = vector.broadcast %ne3A_154 : i32 to vector<16xi32>
    %ne3A_156 = arith.cmpi ne, %get3A_153, %ne3A_155 : vector<16xi32>
    %and3A_157 = arith.andi %and3A_151, %ne3A_156 : vector<16xi1>
    %jit3A_158 = arith.constant 0 : i32
    %broadcast_in_dim3A_159 = vector.broadcast %jit3A_158 : i32 to vector<16xi32>
    %select_n3A_160 = arith.select %and3A_157, %convert_element_type3A_136, %broadcast_in_dim3A_159 : vector<16xi1>, vector<16xi32>
    %jit3A_161 = arith.constant 1.000000e+00 : f32
    %jit3A_162 = arith.constant 0.000000e+00 : f32
    %broadcast_in_dim3A_163 = vector.broadcast %jit3A_161 : f32 to vector<16xf32>
    %broadcast_in_dim3A_164 = vector.broadcast %jit3A_162 : f32 to vector<16xf32>
    %select_n3A_165 = arith.select %and3A_157, %broadcast_in_dim3A_163, %broadcast_in_dim3A_164 : vector<16xi1>, vector<16xf32>
    %swap3A_166 = arith.constant 16 : index
    %swap3A_167 = tpu.vector_load %arg12[%swap3A_166] {strides = array<i32>} : memref<64xf32, #tpu.memory_space<vmem>>, vector<16xf32>,
    tpu.vector_store %arg12[%swap3A_166], %select_n3A_165 {strides = array<i32>} : memref<64xf32, #tpu.memory_space<vmem>>, vector<16xf32>,
    %jit3A_168 = arith.constant 0 : i32
    %broadcast_in_dim3A_169 = vector.broadcast %jit3A_168 : i32 to vector<16xi32>
    %select_n3A_170 = arith.select %and3A_157, %convert_element_type3A_135, %broadcast_in_dim3A_169 : vector<16xi1>, vector<16xi32>
    %swap3A_171 = arith.constant 16 : index
    %swap3A_172 = tpu.vector_load %arg13[%swap3A_171] {strides = array<i32>} : memref<64xi32, #tpu.memory_space<vmem>>, vector<16xi32>,
    tpu.vector_store %arg13[%swap3A_171], %select_n3A_170 {strides = array<i32>} : memref<64xi32, #tpu.memory_space<vmem>>, vector<16xi32>,
    %add3A_173 = arith.constant 0 : i32
    %add3A_174 = arith.addi %mul3A_34, %add3A_173 : i32
    %add3A_175 = vector.broadcast %add3A_174 : i32 to vector<16xi32>
    %add3A_176 = arith.addi %select_n3A_160, %add3A_175 : vector<16xi32>
    %swap3A_177 = arith.constant 1 : i32
    %swap3A_178 = arith.index_cast %swap3A_177 : i32 to index
    %swap3A_179 = arith.constant 0 : index
    %swap3A_180 = tpu.vector_load %arg15[%swap3A_178, %swap3A_179] {strides = array<i32>} : memref<4x48xi32, #tpu.memory_space<vmem>>, vector<16xi32>,
    tpu.vector_store %arg15[%swap3A_178, %swap3A_179], %add3A_176 {strides = array<i32>} : memref<4x48xi32, #tpu.memory_space<vmem>>, vector<16xi32>,
    %add3A_181 = arith.constant 512 : i32
    %add3A_182 = arith.addi %mul3A_34, %add3A_181 : i32
    %add3A_183 = vector.broadcast %add3A_182 : i32 to vector<16xi32>
    %add3A_184 = arith.addi %select_n3A_160, %add3A_183 : vector<16xi32>
    %swap3A_185 = arith.constant 1 : i32
    %swap3A_186 = arith.index_cast %swap3A_185 : i32 to index
    %swap3A_187 = arith.constant 16 : index
    %swap3A_188 = tpu.vector_load %arg15[%swap3A_186, %swap3A_187] {strides = array<i32>} : memref<4x48xi32, #tpu.memory_space<vmem>>, vector<16xi32>,
    tpu.vector_store %arg15[%swap3A_186, %swap3A_187], %add3A_184 {strides = array<i32>} : memref<4x48xi32, #tpu.memory_space<vmem>>, vector<16xi32>,
    %add3A_189 = arith.constant 1024 : i32
    %add3A_190 = arith.addi %mul3A_34, %add3A_189 : i32
    %add3A_191 = vector.broadcast %add3A_190 : i32 to vector<16xi32>
    %add3A_192 = arith.addi %select_n3A_160, %add3A_191 : vector<16xi32>
    %swap3A_193 = arith.constant 1 : i32
    %swap3A_194 = arith.index_cast %swap3A_193 : i32 to index
    %swap3A_195 = arith.constant 32 : index
    %swap3A_196 = tpu.vector_load %arg15[%swap3A_194, %swap3A_195] {strides = array<i32>} : memref<4x48xi32, #tpu.memory_space<vmem>>, vector<16xi32>,
    tpu.vector_store %arg15[%swap3A_194, %swap3A_195], %add3A_192 {strides = array<i32>} : memref<4x48xi32, #tpu.memory_space<vmem>>, vector<16xi32>,
    %get3A_197 = arith.constant 32 : index
    %get3A_198 = tpu.vector_load %arg9[%get3A_197] {strides = array<i32>} : memref<64xf32, #tpu.memory_space<vmem>>, vector<16xf32>,
    %get3A_199 = arith.constant 32 : index
    %get3A_200 = tpu.vector_load %arg10[%get3A_199] {strides = array<i32>} : memref<64xf32, #tpu.memory_space<vmem>>, vector<16xf32>,
    %mul3A_201 = arith.constant 5.120000e+02 : f32
    %mul3A_202 = vector.broadcast %mul3A_201 : f32 to vector<16xf32>
    %mul3A_203 = arith.mulf %get3A_198, %mul3A_202 : vector<16xf32>
    %add3A_204 = arith.constant 0x4B000000 : f32
    %add3A_205 = vector.broadcast %add3A_204 : f32 to vector<16xf32>
    %add3A_206 = arith.addf %mul3A_203, %add3A_205 : vector<16xf32>
    %sub3A_207 = arith.constant 0x4B000000 : f32
    %sub3A_208 = vector.broadcast %sub3A_207 : f32 to vector<16xf32>
    %sub3A_209 = arith.subf %add3A_206, %sub3A_208 : vector<16xf32>
    %mul3A_210 = arith.constant 5.120000e+02 : f32
    %mul3A_211 = vector.broadcast %mul3A_210 : f32 to vector<16xf32>
    %mul3A_212 = arith.mulf %get3A_200, %mul3A_211 : vector<16xf32>
    %add3A_213 = arith.constant 0x4B000000 : f32
    %add3A_214 = vector.broadcast %add3A_213 : f32 to vector<16xf32>
    %add3A_215 = arith.addf %mul3A_212, %add3A_214 : vector<16xf32>
    %sub3A_216 = arith.constant 0x4B000000 : f32
    %sub3A_217 = vector.broadcast %sub3A_216 : f32 to vector<16xf32>
    %sub3A_218 = arith.subf %add3A_215, %sub3A_217 : vector<16xf32>
    %convert_element_type3A_219 = arith.fptosi %sub3A_209 : vector<16xf32> to vector<16xi32>
    %convert_element_type3A_220 = arith.fptosi %sub3A_218 : vector<16xf32> to vector<16xi32>
    %ge3A_221 = arith.constant 0 : i32
    %ge3A_222 = vector.broadcast %ge3A_221 : i32 to vector<16xi32>
    %ge3A_223 = arith.cmpi sge, %convert_element_type3A_219, %ge3A_222 : vector<16xi32>
    %lt3A_224 = arith.constant 512 : i32
    %lt3A_225 = vector.broadcast %lt3A_224 : i32 to vector<16xi32>
    %lt3A_226 = arith.cmpi slt, %convert_element_type3A_219, %lt3A_225 : vector<16xi32>
    %and3A_227 = arith.andi %ge3A_223, %lt3A_226 : vector<16xi1>
    %ge3A_228 = arith.constant 0 : i32
    %ge3A_229 = vector.broadcast %ge3A_228 : i32 to vector<16xi32>
    %ge3A_230 = arith.cmpi sge, %convert_element_type3A_220, %ge3A_229 : vector<16xi32>
    %lt3A_231 = arith.constant 512 : i32
    %lt3A_232 = vector.broadcast %lt3A_231 : i32 to vector<16xi32>
    %lt3A_233 = arith.cmpi slt, %convert_element_type3A_220, %lt3A_232 : vector<16xi32>
    %and3A_234 = arith.andi %ge3A_230, %lt3A_233 : vector<16xi1>
    %and3A_235 = arith.andi %and3A_227, %and3A_234 : vector<16xi1>
    %get3A_236 = arith.constant 32 : index
    %get3A_237 = tpu.vector_load %arg11[%get3A_236] {strides = array<i32>} : memref<64xi32, #tpu.memory_space<vmem>>, vector<16xi32>,
    %ne3A_238 = arith.constant 0 : i32
    %ne3A_239 = vector.broadcast %ne3A_238 : i32 to vector<16xi32>
    %ne3A_240 = arith.cmpi ne, %get3A_237, %ne3A_239 : vector<16xi32>
    %and3A_241 = arith.andi %and3A_235, %ne3A_240 : vector<16xi1>
    %jit3A_242 = arith.constant 0 : i32
    %broadcast_in_dim3A_243 = vector.broadcast %jit3A_242 : i32 to vector<16xi32>
    %select_n3A_244 = arith.select %and3A_241, %convert_element_type3A_220, %broadcast_in_dim3A_243 : vector<16xi1>, vector<16xi32>
    %jit3A_245 = arith.constant 1.000000e+00 : f32
    %jit3A_246 = arith.constant 0.000000e+00 : f32
    %broadcast_in_dim3A_247 = vector.broadcast %jit3A_245 : f32 to vector<16xf32>
    %broadcast_in_dim3A_248 = vector.broadcast %jit3A_246 : f32 to vector<16xf32>
    %select_n3A_249 = arith.select %and3A_241, %broadcast_in_dim3A_247, %broadcast_in_dim3A_248 : vector<16xi1>, vector<16xf32>
    %swap3A_250 = arith.constant 32 : index
    %swap3A_251 = tpu.vector_load %arg12[%swap3A_250] {strides = array<i32>} : memref<64xf32, #tpu.memory_space<vmem>>, vector<16xf32>,
    tpu.vector_store %arg12[%swap3A_250], %select_n3A_249 {strides = array<i32>} : memref<64xf32, #tpu.memory_space<vmem>>, vector<16xf32>,
    %jit3A_252 = arith.constant 0 : i32
    %broadcast_in_dim3A_253 = vector.broadcast %jit3A_252 : i32 to vector<16xi32>
    %select_n3A_254 = arith.select %and3A_241, %convert_element_type3A_219, %broadcast_in_dim3A_253 : vector<16xi1>, vector<16xi32>
    %swap3A_255 = arith.constant 32 : index
    %swap3A_256 = tpu.vector_load %arg13[%swap3A_255] {strides = array<i32>} : memref<64xi32, #tpu.memory_space<vmem>>, vector<16xi32>,
    tpu.vector_store %arg13[%swap3A_255], %select_n3A_254 {strides = array<i32>} : memref<64xi32, #tpu.memory_space<vmem>>, vector<16xi32>,
    %add3A_257 = arith.constant 0 : i32
    %add3A_258 = arith.addi %mul3A_34, %add3A_257 : i32
    %add3A_259 = vector.broadcast %add3A_258 : i32 to vector<16xi32>
    %add3A_260 = arith.addi %select_n3A_244, %add3A_259 : vector<16xi32>
    %swap3A_261 = arith.constant 2 : i32
    %swap3A_262 = arith.index_cast %swap3A_261 : i32 to index
    %swap3A_263 = arith.constant 0 : index
    %swap3A_264 = tpu.vector_load %arg15[%swap3A_262, %swap3A_263] {strides = array<i32>} : memref<4x48xi32, #tpu.memory_space<vmem>>, vector<16xi32>,
    tpu.vector_store %arg15[%swap3A_262, %swap3A_263], %add3A_260 {strides = array<i32>} : memref<4x48xi32, #tpu.memory_space<vmem>>, vector<16xi32>,
    %add3A_265 = arith.constant 512 : i32
    %add3A_266 = arith.addi %mul3A_34, %add3A_265 : i32
    %add3A_267 = vector.broadcast %add3A_266 : i32 to vector<16xi32>
    %add3A_268 = arith.addi %select_n3A_244, %add3A_267 : vector<16xi32>
    %swap3A_269 = arith.constant 2 : i32
    %swap3A_270 = arith.index_cast %swap3A_269 : i32 to index
    %swap3A_271 = arith.constant 16 : index
    %swap3A_272 = tpu.vector_load %arg15[%swap3A_270, %swap3A_271] {strides = array<i32>} : memref<4x48xi32, #tpu.memory_space<vmem>>, vector<16xi32>,
    tpu.vector_store %arg15[%swap3A_270, %swap3A_271], %add3A_268 {strides = array<i32>} : memref<4x48xi32, #tpu.memory_space<vmem>>, vector<16xi32>,
    %add3A_273 = arith.constant 1024 : i32
    %add3A_274 = arith.addi %mul3A_34, %add3A_273 : i32
    %add3A_275 = vector.broadcast %add3A_274 : i32 to vector<16xi32>
    %add3A_276 = arith.addi %select_n3A_244, %add3A_275 : vector<16xi32>
    %swap3A_277 = arith.constant 2 : i32
    %swap3A_278 = arith.index_cast %swap3A_277 : i32 to index
    %swap3A_279 = arith.constant 32 : index
    %swap3A_280 = tpu.vector_load %arg15[%swap3A_278, %swap3A_279] {strides = array<i32>} : memref<4x48xi32, #tpu.memory_space<vmem>>, vector<16xi32>,
    tpu.vector_store %arg15[%swap3A_278, %swap3A_279], %add3A_276 {strides = array<i32>} : memref<4x48xi32, #tpu.memory_space<vmem>>, vector<16xi32>,
    %get3A_281 = arith.constant 48 : index
    %get3A_282 = tpu.vector_load %arg9[%get3A_281] {strides = array<i32>} : memref<64xf32, #tpu.memory_space<vmem>>, vector<16xf32>,
    %get3A_283 = arith.constant 48 : index
    %get3A_284 = tpu.vector_load %arg10[%get3A_283] {strides = array<i32>} : memref<64xf32, #tpu.memory_space<vmem>>, vector<16xf32>,
    %mul3A_285 = arith.constant 5.120000e+02 : f32
    %mul3A_286 = vector.broadcast %mul3A_285 : f32 to vector<16xf32>
    %mul3A_287 = arith.mulf %get3A_282, %mul3A_286 : vector<16xf32>
    %add3A_288 = arith.constant 0x4B000000 : f32
    %add3A_289 = vector.broadcast %add3A_288 : f32 to vector<16xf32>
    %add3A_290 = arith.addf %mul3A_287, %add3A_289 : vector<16xf32>
    %sub3A_291 = arith.constant 0x4B000000 : f32
    %sub3A_292 = vector.broadcast %sub3A_291 : f32 to vector<16xf32>
    %sub3A_293 = arith.subf %add3A_290, %sub3A_292 : vector<16xf32>
    %mul3A_294 = arith.constant 5.120000e+02 : f32
    %mul3A_295 = vector.broadcast %mul3A_294 : f32 to vector<16xf32>
    %mul3A_296 = arith.mulf %get3A_284, %mul3A_295 : vector<16xf32>
    %add3A_297 = arith.constant 0x4B000000 : f32
    %add3A_298 = vector.broadcast %add3A_297 : f32 to vector<16xf32>
    %add3A_299 = arith.addf %mul3A_296, %add3A_298 : vector<16xf32>
    %sub3A_300 = arith.constant 0x4B000000 : f32
    %sub3A_301 = vector.broadcast %sub3A_300 : f32 to vector<16xf32>
    %sub3A_302 = arith.subf %add3A_299, %sub3A_301 : vector<16xf32>
    %convert_element_type3A_303 = arith.fptosi %sub3A_293 : vector<16xf32> to vector<16xi32>
    %convert_element_type3A_304 = arith.fptosi %sub3A_302 : vector<16xf32> to vector<16xi32>
    %ge3A_305 = arith.constant 0 : i32
    %ge3A_306 = vector.broadcast %ge3A_305 : i32 to vector<16xi32>
    %ge3A_307 = arith.cmpi sge, %convert_element_type3A_303, %ge3A_306 : vector<16xi32>
    %lt3A_308 = arith.constant 512 : i32
    %lt3A_309 = vector.broadcast %lt3A_308 : i32 to vector<16xi32>
    %lt3A_310 = arith.cmpi slt, %convert_element_type3A_303, %lt3A_309 : vector<16xi32>
    %and3A_311 = arith.andi %ge3A_307, %lt3A_310 : vector<16xi1>
    %ge3A_312 = arith.constant 0 : i32
    %ge3A_313 = vector.broadcast %ge3A_312 : i32 to vector<16xi32>
    %ge3A_314 = arith.cmpi sge, %convert_element_type3A_304, %ge3A_313 : vector<16xi32>
    %lt3A_315 = arith.constant 512 : i32
    %lt3A_316 = vector.broadcast %lt3A_315 : i32 to vector<16xi32>
    %lt3A_317 = arith.cmpi slt, %convert_element_type3A_304, %lt3A_316 : vector<16xi32>
    %and3A_318 = arith.andi %ge3A_314, %lt3A_317 : vector<16xi1>
    %and3A_319 = arith.andi %and3A_311, %and3A_318 : vector<16xi1>
    %get3A_320 = arith.constant 48 : index
    %get3A_321 = tpu.vector_load %arg11[%get3A_320] {strides = array<i32>} : memref<64xi32, #tpu.memory_space<vmem>>, vector<16xi32>,
    %ne3A_322 = arith.constant 0 : i32
    %ne3A_323 = vector.broadcast %ne3A_322 : i32 to vector<16xi32>
    %ne3A_324 = arith.cmpi ne, %get3A_321, %ne3A_323 : vector<16xi32>
    %and3A_325 = arith.andi %and3A_319, %ne3A_324 : vector<16xi1>
    %jit3A_326 = arith.constant 0 : i32
    %broadcast_in_dim3A_327 = vector.broadcast %jit3A_326 : i32 to vector<16xi32>
    %select_n3A_328 = arith.select %and3A_325, %convert_element_type3A_304, %broadcast_in_dim3A_327 : vector<16xi1>, vector<16xi32>
    %jit3A_329 = arith.constant 1.000000e+00 : f32
    %jit3A_330 = arith.constant 0.000000e+00 : f32
    %broadcast_in_dim3A_331 = vector.broadcast %jit3A_329 : f32 to vector<16xf32>
    %broadcast_in_dim3A_332 = vector.broadcast %jit3A_330 : f32 to vector<16xf32>
    %select_n3A_333 = arith.select %and3A_325, %broadcast_in_dim3A_331, %broadcast_in_dim3A_332 : vector<16xi1>, vector<16xf32>
    %swap3A_334 = arith.constant 48 : index
    %swap3A_335 = tpu.vector_load %arg12[%swap3A_334] {strides = array<i32>} : memref<64xf32, #tpu.memory_space<vmem>>, vector<16xf32>,
    tpu.vector_store %arg12[%swap3A_334], %select_n3A_333 {strides = array<i32>} : memref<64xf32, #tpu.memory_space<vmem>>, vector<16xf32>,
    %jit3A_336 = arith.constant 0 : i32
    %broadcast_in_dim3A_337 = vector.broadcast %jit3A_336 : i32 to vector<16xi32>
    %select_n3A_338 = arith.select %and3A_325, %convert_element_type3A_303, %broadcast_in_dim3A_337 : vector<16xi1>, vector<16xi32>
    %swap3A_339 = arith.constant 48 : index
    %swap3A_340 = tpu.vector_load %arg13[%swap3A_339] {strides = array<i32>} : memref<64xi32, #tpu.memory_space<vmem>>, vector<16xi32>,
    tpu.vector_store %arg13[%swap3A_339], %select_n3A_338 {strides = array<i32>} : memref<64xi32, #tpu.memory_space<vmem>>, vector<16xi32>,
    %add3A_341 = arith.constant 0 : i32
    %add3A_342 = arith.addi %mul3A_34, %add3A_341 : i32
    %add3A_343 = vector.broadcast %add3A_342 : i32 to vector<16xi32>
    %add3A_344 = arith.addi %select_n3A_328, %add3A_343 : vector<16xi32>
    %swap3A_345 = arith.constant 3 : i32
    %swap3A_346 = arith.index_cast %swap3A_345 : i32 to index
    %swap3A_347 = arith.constant 0 : index
    %swap3A_348 = tpu.vector_load %arg15[%swap3A_346, %swap3A_347] {strides = array<i32>} : memref<4x48xi32, #tpu.memory_space<vmem>>, vector<16xi32>,
    tpu.vector_store %arg15[%swap3A_346, %swap3A_347], %add3A_344 {strides = array<i32>} : memref<4x48xi32, #tpu.memory_space<vmem>>, vector<16xi32>,
    %add3A_349 = arith.constant 512 : i32
    %add3A_350 = arith.addi %mul3A_34, %add3A_349 : i32
    %add3A_351 = vector.broadcast %add3A_350 : i32 to vector<16xi32>
    %add3A_352 = arith.addi %select_n3A_328, %add3A_351 : vector<16xi32>
    %swap3A_353 = arith.constant 3 : i32
    %swap3A_354 = arith.index_cast %swap3A_353 : i32 to index
    %swap3A_355 = arith.constant 16 : index
    %swap3A_356 = tpu.vector_load %arg15[%swap3A_354, %swap3A_355] {strides = array<i32>} : memref<4x48xi32, #tpu.memory_space<vmem>>, vector<16xi32>,
    tpu.vector_store %arg15[%swap3A_354, %swap3A_355], %add3A_352 {strides = array<i32>} : memref<4x48xi32, #tpu.memory_space<vmem>>, vector<16xi32>,
    %add3A_357 = arith.constant 1024 : i32
    %add3A_358 = arith.addi %mul3A_34, %add3A_357 : i32
    %add3A_359 = vector.broadcast %add3A_358 : i32 to vector<16xi32>
    %add3A_360 = arith.addi %select_n3A_328, %add3A_359 : vector<16xi32>
    %swap3A_361 = arith.constant 3 : i32
    %swap3A_362 = arith.index_cast %swap3A_361 : i32 to index
    %swap3A_363 = arith.constant 32 : index
    %swap3A_364 = tpu.vector_load %arg15[%swap3A_362, %swap3A_363] {strides = array<i32>} : memref<4x48xi32, #tpu.memory_space<vmem>>, vector<16xi32>,
    tpu.vector_store %arg15[%swap3A_362, %swap3A_363], %add3A_360 {strides = array<i32>} : memref<4x48xi32, #tpu.memory_space<vmem>>, vector<16xi32>,
    %dma_start3A_365 = arith.constant 0 : i32
    %dma_start3A_366 = arith.constant 0 : i32
    %dma_start3A_367 = tpu.memref_slice %arg15[%dma_start3A_365, %dma_start3A_366] : memref<4x48xi32, #tpu.memory_space<vmem>> -> memref<1x48xi32, #tpu.memory_space<vmem>>
    %dma_start3A_368 = tpu.memref_squeeze %dma_start3A_367 : memref<1x48xi32, #tpu.memory_space<vmem>> -> memref<48xi32, #tpu.memory_space<vmem>>
    %dma_start3A_369 = arith.constant 0 : i32
    %dma_start3A_370 = arith.constant 0 : i32
    %dma_start3A_371 = tpu.memref_slice %arg2[%dma_start3A_369, %dma_start3A_370] : memref<24576x512xf32, #tpu.memory_space<hbm>> -> memref<24576x512xf32, #tpu.memory_space<hbm>>
    tpu.enqueue_indirect_dma source(%dma_start3A_371 : memref<24576x512xf32, #tpu.memory_space<hbm>>) target(%arg16 : memref<48x512xf32, #tpu.memory_space<vmem>>) offsets(%dma_start3A_368 : memref<48xi32, #tpu.memory_space<vmem>>) semaphore(%arg22 : memref<!tpu.dma_semaphore, #tpu.memory_space<semaphore_mem>>)
    %dma_start3A_372 = arith.constant 1 : i32
    %dma_start3A_373 = arith.constant 0 : i32
    %dma_start3A_374 = tpu.memref_slice %arg15[%dma_start3A_372, %dma_start3A_373] : memref<4x48xi32, #tpu.memory_space<vmem>> -> memref<1x48xi32, #tpu.memory_space<vmem>>
    %dma_start3A_375 = tpu.memref_squeeze %dma_start3A_374 : memref<1x48xi32, #tpu.memory_space<vmem>> -> memref<48xi32, #tpu.memory_space<vmem>>
    %dma_start3A_376 = arith.constant 0 : i32
    %dma_start3A_377 = arith.constant 0 : i32
    %dma_start3A_378 = tpu.memref_slice %arg2[%dma_start3A_376, %dma_start3A_377] : memref<24576x512xf32, #tpu.memory_space<hbm>> -> memref<24576x512xf32, #tpu.memory_space<hbm>>
    tpu.enqueue_indirect_dma source(%dma_start3A_378 : memref<24576x512xf32, #tpu.memory_space<hbm>>) target(%arg17 : memref<48x512xf32, #tpu.memory_space<vmem>>) offsets(%dma_start3A_375 : memref<48xi32, #tpu.memory_space<vmem>>) semaphore(%arg22 : memref<!tpu.dma_semaphore, #tpu.memory_space<semaphore_mem>>)
    %dma_start3A_379 = arith.constant 2 : i32
    %dma_start3A_380 = arith.constant 0 : i32
    %dma_start3A_381 = tpu.memref_slice %arg15[%dma_start3A_379, %dma_start3A_380] : memref<4x48xi32, #tpu.memory_space<vmem>> -> memref<1x48xi32, #tpu.memory_space<vmem>>
    %dma_start3A_382 = tpu.memref_squeeze %dma_start3A_381 : memref<1x48xi32, #tpu.memory_space<vmem>> -> memref<48xi32, #tpu.memory_space<vmem>>
    %dma_start3A_383 = arith.constant 0 : i32
    %dma_start3A_384 = arith.constant 0 : i32
    %dma_start3A_385 = tpu.memref_slice %arg2[%dma_start3A_383, %dma_start3A_384] : memref<24576x512xf32, #tpu.memory_space<hbm>> -> memref<24576x512xf32, #tpu.memory_space<hbm>>
    tpu.enqueue_indirect_dma source(%dma_start3A_385 : memref<24576x512xf32, #tpu.memory_space<hbm>>) target(%arg18 : memref<48x512xf32, #tpu.memory_space<vmem>>) offsets(%dma_start3A_382 : memref<48xi32, #tpu.memory_space<vmem>>) semaphore(%arg22 : memref<!tpu.dma_semaphore, #tpu.memory_space<semaphore_mem>>)
    %dma_start3A_386 = arith.constant 3 : i32
    %dma_start3A_387 = arith.constant 0 : i32
    %dma_start3A_388 = tpu.memref_slice %arg15[%dma_start3A_386, %dma_start3A_387] : memref<4x48xi32, #tpu.memory_space<vmem>> -> memref<1x48xi32, #tpu.memory_space<vmem>>
    %dma_start3A_389 = tpu.memref_squeeze %dma_start3A_388 : memref<1x48xi32, #tpu.memory_space<vmem>> -> memref<48xi32, #tpu.memory_space<vmem>>
    %dma_start3A_390 = arith.constant 0 : i32
    %dma_start3A_391 = arith.constant 0 : i32
    %dma_start3A_392 = tpu.memref_slice %arg2[%dma_start3A_390, %dma_start3A_391] : memref<24576x512xf32, #tpu.memory_space<hbm>> -> memref<24576x512xf32, #tpu.memory_space<hbm>>
    tpu.enqueue_indirect_dma source(%dma_start3A_392 : memref<24576x512xf32, #tpu.memory_space<hbm>>) target(%arg19 : memref<48x512xf32, #tpu.memory_space<vmem>>) offsets(%dma_start3A_389 : memref<48xi32, #tpu.memory_space<vmem>>) semaphore(%arg22 : memref<!tpu.dma_semaphore, #tpu.memory_space<semaphore_mem>>)
    %dma_wait3A_393 = tpu.memref_slice %arg6[%mul3A_9] : memref<3072xf32, #tpu.memory_space<hbm>> -> memref<192xf32, #tpu.memory_space<hbm>>
    %dma_wait3A_394 = tpu.memref_slice %arg6[%mul3A_9] : memref<3072xf32, #tpu.memory_space<hbm>> -> memref<192xf32, #tpu.memory_space<hbm>>
    tpu.wait_dma2 semaphore(%arg23 : memref<!tpu.dma_semaphore, #tpu.memory_space<semaphore_mem>>) src(%dma_wait3A_394 : memref<192xf32, #tpu.memory_space<hbm>>) dst(%arg14 : memref<192xf32, #tpu.memory_space<vmem>>)
    %broadcast_in_dim3A_395 = arith.constant 0.000000e+00 : f32
    %broadcast_in_dim3A_396 = vector.broadcast %broadcast_in_dim3A_395 : f32 to vector<16xf32>
    %broadcast_in_dim3A_397 = arith.constant 0.000000e+00 : f32
    %broadcast_in_dim3A_398 = vector.broadcast %broadcast_in_dim3A_397 : f32 to vector<16xf32>
    %iota3A = tpu.iota {dimensions = array<i32: 0>} : vector<16xi32>
    %dma_wait3A_399 = arith.constant 0 : i32
    %dma_wait3A_400 = arith.constant 0 : i32
    %dma_wait3A_401 = tpu.memref_slice %arg15[%dma_wait3A_399, %dma_wait3A_400] : memref<4x48xi32, #tpu.memory_space<vmem>> -> memref<1x48xi32, #tpu.memory_space<vmem>>
    %dma_wait3A_402 = tpu.memref_squeeze %dma_wait3A_401 : memref<1x48xi32, #tpu.memory_space<vmem>> -> memref<48xi32, #tpu.memory_space<vmem>>
    %dma_wait3A_403 = arith.constant 0 : i32
    %dma_wait3A_404 = arith.constant 0 : i32
    %dma_wait3A_405 = tpu.memref_slice %arg2[%dma_wait3A_403, %dma_wait3A_404] : memref<24576x512xf32, #tpu.memory_space<hbm>> -> memref<24576x512xf32, #tpu.memory_space<hbm>>
    tpu.wait_indirect_dma semaphore(%arg22 : memref<!tpu.dma_semaphore, #tpu.memory_space<semaphore_mem>>) src(%dma_wait3A_405 : memref<24576x512xf32, #tpu.memory_space<hbm>>) dst(%arg16 : memref<48x512xf32, #tpu.memory_space<vmem>>)
    %get3A_406 = arith.constant 0 : index
    %get3A_407 = tpu.vector_load %arg12[%get3A_406] {strides = array<i32>} : memref<64xf32, #tpu.memory_space<vmem>>, vector<16xf32>,
    %get3A_408 = arith.constant 0 : index
    %get3A_409 = tpu.vector_load %arg13[%get3A_408] {strides = array<i32>} : memref<64xi32, #tpu.memory_space<vmem>>, vector<16xi32>,
    %add3A_410 = arith.addf %broadcast_in_dim3A_398, %get3A_407 : vector<16xf32>
    %add3A_411 = arith.constant 0 : i32
    %add3A_412 = vector.broadcast %add3A_411 : i32 to vector<16xi32>
    %add3A_413 = arith.addi %iota3A, %add3A_412 : vector<16xi32>
    %gather3A = tpu.vector_load_idx %arg16[%add3A_413, %get3A_409] : memref<48x512xf32, #tpu.memory_space<vmem>>[vector<16xi32>, vector<16xi32>], vector<16xf32>,
    %get3A_414 = arith.constant 0 : index
    %get3A_415 = tpu.vector_load %arg14[%get3A_414] {strides = array<i32>} : memref<192xf32, #tpu.memory_space<vmem>>, vector<16xf32>,
    %sub3A_416 = arith.subf %gather3A, %get3A_415 : vector<16xf32>
    %abs3A = math.absf %sub3A_416 : vector<16xf32>
    %mul3A_417 = arith.mulf %abs3A, %get3A_407 : vector<16xf32>
    %add3A_418 = arith.addf %broadcast_in_dim3A_396, %mul3A_417 : vector<16xf32>
    %add3A_419 = arith.constant 16 : i32
    %add3A_420 = vector.broadcast %add3A_419 : i32 to vector<16xi32>
    %add3A_421 = arith.addi %iota3A, %add3A_420 : vector<16xi32>
    %gather3A_422 = tpu.vector_load_idx %arg16[%add3A_421, %get3A_409] : memref<48x512xf32, #tpu.memory_space<vmem>>[vector<16xi32>, vector<16xi32>], vector<16xf32>,
    %get3A_423 = arith.constant 64 : index
    %get3A_424 = tpu.vector_load %arg14[%get3A_423] {strides = array<i32>} : memref<192xf32, #tpu.memory_space<vmem>>, vector<16xf32>,
    %sub3A_425 = arith.subf %gather3A_422, %get3A_424 : vector<16xf32>
    %abs3A_426 = math.absf %sub3A_425 : vector<16xf32>
    %mul3A_427 = arith.mulf %abs3A_426, %get3A_407 : vector<16xf32>
    %add3A_428 = arith.addf %add3A_418, %mul3A_427 : vector<16xf32>
    %add3A_429 = arith.constant 32 : i32
    %add3A_430 = vector.broadcast %add3A_429 : i32 to vector<16xi32>
    %add3A_431 = arith.addi %iota3A, %add3A_430 : vector<16xi32>
    %gather3A_432 = tpu.vector_load_idx %arg16[%add3A_431, %get3A_409] : memref<48x512xf32, #tpu.memory_space<vmem>>[vector<16xi32>, vector<16xi32>], vector<16xf32>,
    %get3A_433 = arith.constant 128 : index
    %get3A_434 = tpu.vector_load %arg14[%get3A_433] {strides = array<i32>} : memref<192xf32, #tpu.memory_space<vmem>>, vector<16xf32>,
    %sub3A_435 = arith.subf %gather3A_432, %get3A_434 : vector<16xf32>
    %abs3A_436 = math.absf %sub3A_435 : vector<16xf32>
    %mul3A_437 = arith.mulf %abs3A_436, %get3A_407 : vector<16xf32>
    %add3A_438 = arith.addf %add3A_428, %mul3A_437 : vector<16xf32>
    %dma_wait3A_439 = arith.constant 1 : i32
    %dma_wait3A_440 = arith.constant 0 : i32
    %dma_wait3A_441 = tpu.memref_slice %arg15[%dma_wait3A_439, %dma_wait3A_440] : memref<4x48xi32, #tpu.memory_space<vmem>> -> memref<1x48xi32, #tpu.memory_space<vmem>>
    %dma_wait3A_442 = tpu.memref_squeeze %dma_wait3A_441 : memref<1x48xi32, #tpu.memory_space<vmem>> -> memref<48xi32, #tpu.memory_space<vmem>>
    %dma_wait3A_443 = arith.constant 0 : i32
    %dma_wait3A_444 = arith.constant 0 : i32
    %dma_wait3A_445 = tpu.memref_slice %arg2[%dma_wait3A_443, %dma_wait3A_444] : memref<24576x512xf32, #tpu.memory_space<hbm>> -> memref<24576x512xf32, #tpu.memory_space<hbm>>
    tpu.wait_indirect_dma semaphore(%arg22 : memref<!tpu.dma_semaphore, #tpu.memory_space<semaphore_mem>>) src(%dma_wait3A_445 : memref<24576x512xf32, #tpu.memory_space<hbm>>) dst(%arg17 : memref<48x512xf32, #tpu.memory_space<vmem>>)
    %get3A_446 = arith.constant 16 : index
    %get3A_447 = tpu.vector_load %arg12[%get3A_446] {strides = array<i32>} : memref<64xf32, #tpu.memory_space<vmem>>, vector<16xf32>,
    %get3A_448 = arith.constant 16 : index
    %get3A_449 = tpu.vector_load %arg13[%get3A_448] {strides = array<i32>} : memref<64xi32, #tpu.memory_space<vmem>>, vector<16xi32>,
    %add3A_450 = arith.addf %add3A_410, %get3A_447 : vector<16xf32>
    %add3A_451 = arith.constant 0 : i32
    %add3A_452 = vector.broadcast %add3A_451 : i32 to vector<16xi32>
    %add3A_453 = arith.addi %iota3A, %add3A_452 : vector<16xi32>
    %gather3A_454 = tpu.vector_load_idx %arg17[%add3A_453, %get3A_449] : memref<48x512xf32, #tpu.memory_space<vmem>>[vector<16xi32>, vector<16xi32>], vector<16xf32>,
    %get3A_455 = arith.constant 16 : index
    %get3A_456 = tpu.vector_load %arg14[%get3A_455] {strides = array<i32>} : memref<192xf32, #tpu.memory_space<vmem>>, vector<16xf32>,
    %sub3A_457 = arith.subf %gather3A_454, %get3A_456 : vector<16xf32>
    %abs3A_458 = math.absf %sub3A_457 : vector<16xf32>
    %mul3A_459 = arith.mulf %abs3A_458, %get3A_447 : vector<16xf32>
    %add3A_460 = arith.addf %add3A_438, %mul3A_459 : vector<16xf32>
    %add3A_461 = arith.constant 16 : i32
    %add3A_462 = vector.broadcast %add3A_461 : i32 to vector<16xi32>
    %add3A_463 = arith.addi %iota3A, %add3A_462 : vector<16xi32>
    %gather3A_464 = tpu.vector_load_idx %arg17[%add3A_463, %get3A_449] : memref<48x512xf32, #tpu.memory_space<vmem>>[vector<16xi32>, vector<16xi32>], vector<16xf32>,
    %get3A_465 = arith.constant 80 : index
    %get3A_466 = tpu.vector_load %arg14[%get3A_465] {strides = array<i32>} : memref<192xf32, #tpu.memory_space<vmem>>, vector<16xf32>,
    %sub3A_467 = arith.subf %gather3A_464, %get3A_466 : vector<16xf32>
    %abs3A_468 = math.absf %sub3A_467 : vector<16xf32>
    %mul3A_469 = arith.mulf %abs3A_468, %get3A_447 : vector<16xf32>
    %add3A_470 = arith.addf %add3A_460, %mul3A_469 : vector<16xf32>
    %add3A_471 = arith.constant 32 : i32
    %add3A_472 = vector.broadcast %add3A_471 : i32 to vector<16xi32>
    %add3A_473 = arith.addi %iota3A, %add3A_472 : vector<16xi32>
    %gather3A_474 = tpu.vector_load_idx %arg17[%add3A_473, %get3A_449] : memref<48x512xf32, #tpu.memory_space<vmem>>[vector<16xi32>, vector<16xi32>], vector<16xf32>,
    %get3A_475 = arith.constant 144 : index
    %get3A_476 = tpu.vector_load %arg14[%get3A_475] {strides = array<i32>} : memref<192xf32, #tpu.memory_space<vmem>>, vector<16xf32>,
    %sub3A_477 = arith.subf %gather3A_474, %get3A_476 : vector<16xf32>
    %abs3A_478 = math.absf %sub3A_477 : vector<16xf32>
    %mul3A_479 = arith.mulf %abs3A_478, %get3A_447 : vector<16xf32>
    %add3A_480 = arith.addf %add3A_470, %mul3A_479 : vector<16xf32>
    %dma_wait3A_481 = arith.constant 2 : i32
    %dma_wait3A_482 = arith.constant 0 : i32
    %dma_wait3A_483 = tpu.memref_slice %arg15[%dma_wait3A_481, %dma_wait3A_482] : memref<4x48xi32, #tpu.memory_space<vmem>> -> memref<1x48xi32, #tpu.memory_space<vmem>>
    %dma_wait3A_484 = tpu.memref_squeeze %dma_wait3A_483 : memref<1x48xi32, #tpu.memory_space<vmem>> -> memref<48xi32, #tpu.memory_space<vmem>>
    %dma_wait3A_485 = arith.constant 0 : i32
    %dma_wait3A_486 = arith.constant 0 : i32
    %dma_wait3A_487 = tpu.memref_slice %arg2[%dma_wait3A_485, %dma_wait3A_486] : memref<24576x512xf32, #tpu.memory_space<hbm>> -> memref<24576x512xf32, #tpu.memory_space<hbm>>
    tpu.wait_indirect_dma semaphore(%arg22 : memref<!tpu.dma_semaphore, #tpu.memory_space<semaphore_mem>>) src(%dma_wait3A_487 : memref<24576x512xf32, #tpu.memory_space<hbm>>) dst(%arg18 : memref<48x512xf32, #tpu.memory_space<vmem>>)
    %get3A_488 = arith.constant 32 : index
    %get3A_489 = tpu.vector_load %arg12[%get3A_488] {strides = array<i32>} : memref<64xf32, #tpu.memory_space<vmem>>, vector<16xf32>,
    %get3A_490 = arith.constant 32 : index
    %get3A_491 = tpu.vector_load %arg13[%get3A_490] {strides = array<i32>} : memref<64xi32, #tpu.memory_space<vmem>>, vector<16xi32>,
    %add3A_492 = arith.addf %add3A_450, %get3A_489 : vector<16xf32>
    %add3A_493 = arith.constant 0 : i32
    %add3A_494 = vector.broadcast %add3A_493 : i32 to vector<16xi32>
    %add3A_495 = arith.addi %iota3A, %add3A_494 : vector<16xi32>
    %gather3A_496 = tpu.vector_load_idx %arg18[%add3A_495, %get3A_491] : memref<48x512xf32, #tpu.memory_space<vmem>>[vector<16xi32>, vector<16xi32>], vector<16xf32>,
    %get3A_497 = arith.constant 32 : index
    %get3A_498 = tpu.vector_load %arg14[%get3A_497] {strides = array<i32>} : memref<192xf32, #tpu.memory_space<vmem>>, vector<16xf32>,
    %sub3A_499 = arith.subf %gather3A_496, %get3A_498 : vector<16xf32>
    %abs3A_500 = math.absf %sub3A_499 : vector<16xf32>
    %mul3A_501 = arith.mulf %abs3A_500, %get3A_489 : vector<16xf32>
    %add3A_502 = arith.addf %add3A_480, %mul3A_501 : vector<16xf32>
    %add3A_503 = arith.constant 16 : i32
    %add3A_504 = vector.broadcast %add3A_503 : i32 to vector<16xi32>
    %add3A_505 = arith.addi %iota3A, %add3A_504 : vector<16xi32>
    %gather3A_506 = tpu.vector_load_idx %arg18[%add3A_505, %get3A_491] : memref<48x512xf32, #tpu.memory_space<vmem>>[vector<16xi32>, vector<16xi32>], vector<16xf32>,
    %get3A_507 = arith.constant 96 : index
    %get3A_508 = tpu.vector_load %arg14[%get3A_507] {strides = array<i32>} : memref<192xf32, #tpu.memory_space<vmem>>, vector<16xf32>,
    %sub3A_509 = arith.subf %gather3A_506, %get3A_508 : vector<16xf32>
    %abs3A_510 = math.absf %sub3A_509 : vector<16xf32>
    %mul3A_511 = arith.mulf %abs3A_510, %get3A_489 : vector<16xf32>
    %add3A_512 = arith.addf %add3A_502, %mul3A_511 : vector<16xf32>
    %add3A_513 = arith.constant 32 : i32
    %add3A_514 = vector.broadcast %add3A_513 : i32 to vector<16xi32>
    %add3A_515 = arith.addi %iota3A, %add3A_514 : vector<16xi32>
    %gather3A_516 = tpu.vector_load_idx %arg18[%add3A_515, %get3A_491] : memref<48x512xf32, #tpu.memory_space<vmem>>[vector<16xi32>, vector<16xi32>], vector<16xf32>,
    %get3A_517 = arith.constant 160 : index
    %get3A_518 = tpu.vector_load %arg14[%get3A_517] {strides = array<i32>} : memref<192xf32, #tpu.memory_space<vmem>>, vector<16xf32>,
    %sub3A_519 = arith.subf %gather3A_516, %get3A_518 : vector<16xf32>
    %abs3A_520 = math.absf %sub3A_519 : vector<16xf32>
    %mul3A_521 = arith.mulf %abs3A_520, %get3A_489 : vector<16xf32>
    %add3A_522 = arith.addf %add3A_512, %mul3A_521 : vector<16xf32>
    %dma_wait3A_523 = arith.constant 3 : i32
    %dma_wait3A_524 = arith.constant 0 : i32
    %dma_wait3A_525 = tpu.memref_slice %arg15[%dma_wait3A_523, %dma_wait3A_524] : memref<4x48xi32, #tpu.memory_space<vmem>> -> memref<1x48xi32, #tpu.memory_space<vmem>>
    %dma_wait3A_526 = tpu.memref_squeeze %dma_wait3A_525 : memref<1x48xi32, #tpu.memory_space<vmem>> -> memref<48xi32, #tpu.memory_space<vmem>>
    %dma_wait3A_527 = arith.constant 0 : i32
    %dma_wait3A_528 = arith.constant 0 : i32
    %dma_wait3A_529 = tpu.memref_slice %arg2[%dma_wait3A_527, %dma_wait3A_528] : memref<24576x512xf32, #tpu.memory_space<hbm>> -> memref<24576x512xf32, #tpu.memory_space<hbm>>
    tpu.wait_indirect_dma semaphore(%arg22 : memref<!tpu.dma_semaphore, #tpu.memory_space<semaphore_mem>>) src(%dma_wait3A_529 : memref<24576x512xf32, #tpu.memory_space<hbm>>) dst(%arg19 : memref<48x512xf32, #tpu.memory_space<vmem>>)
    %get3A_530 = arith.constant 48 : index
    %get3A_531 = tpu.vector_load %arg12[%get3A_530] {strides = array<i32>} : memref<64xf32, #tpu.memory_space<vmem>>, vector<16xf32>,
    %get3A_532 = arith.constant 48 : index
    %get3A_533 = tpu.vector_load %arg13[%get3A_532] {strides = array<i32>} : memref<64xi32, #tpu.memory_space<vmem>>, vector<16xi32>,
    %add3A_534 = arith.addf %add3A_492, %get3A_531 : vector<16xf32>
    %add3A_535 = arith.constant 0 : i32
    %add3A_536 = vector.broadcast %add3A_535 : i32 to vector<16xi32>
    %add3A_537 = arith.addi %iota3A, %add3A_536 : vector<16xi32>
    %gather3A_538 = tpu.vector_load_idx %arg19[%add3A_537, %get3A_533] : memref<48x512xf32, #tpu.memory_space<vmem>>[vector<16xi32>, vector<16xi32>], vector<16xf32>,
    %get3A_539 = arith.constant 48 : index
    %get3A_540 = tpu.vector_load %arg14[%get3A_539] {strides = array<i32>} : memref<192xf32, #tpu.memory_space<vmem>>, vector<16xf32>,
    %sub3A_541 = arith.subf %gather3A_538, %get3A_540 : vector<16xf32>
    %abs3A_542 = math.absf %sub3A_541 : vector<16xf32>
    %mul3A_543 = arith.mulf %abs3A_542, %get3A_531 : vector<16xf32>
    %add3A_544 = arith.addf %add3A_522, %mul3A_543 : vector<16xf32>
    %add3A_545 = arith.constant 16 : i32
    %add3A_546 = vector.broadcast %add3A_545 : i32 to vector<16xi32>
    %add3A_547 = arith.addi %iota3A, %add3A_546 : vector<16xi32>
    %gather3A_548 = tpu.vector_load_idx %arg19[%add3A_547, %get3A_533] : memref<48x512xf32, #tpu.memory_space<vmem>>[vector<16xi32>, vector<16xi32>], vector<16xf32>,
    %get3A_549 = arith.constant 112 : index
    %get3A_550 = tpu.vector_load %arg14[%get3A_549] {strides = array<i32>} : memref<192xf32, #tpu.memory_space<vmem>>, vector<16xf32>,
    %sub3A_551 = arith.subf %gather3A_548, %get3A_550 : vector<16xf32>
    %abs3A_552 = math.absf %sub3A_551 : vector<16xf32>
    %mul3A_553 = arith.mulf %abs3A_552, %get3A_531 : vector<16xf32>
    %add3A_554 = arith.addf %add3A_544, %mul3A_553 : vector<16xf32>
    %add3A_555 = arith.constant 32 : i32
    %add3A_556 = vector.broadcast %add3A_555 : i32 to vector<16xi32>
    %add3A_557 = arith.addi %iota3A, %add3A_556 : vector<16xi32>
    %gather3A_558 = tpu.vector_load_idx %arg19[%add3A_557, %get3A_533] : memref<48x512xf32, #tpu.memory_space<vmem>>[vector<16xi32>, vector<16xi32>], vector<16xf32>,
    %get3A_559 = arith.constant 176 : index
    %get3A_560 = tpu.vector_load %arg14[%get3A_559] {strides = array<i32>} : memref<192xf32, #tpu.memory_space<vmem>>, vector<16xf32>,
    %sub3A_561 = arith.subf %gather3A_558, %get3A_560 : vector<16xf32>
    %abs3A_562 = math.absf %sub3A_561 : vector<16xf32>
    %mul3A_563 = arith.mulf %abs3A_562, %get3A_531 : vector<16xf32>
    %add3A_564 = arith.addf %add3A_554, %mul3A_563 : vector<16xf32>
    %swap3A_565 = arith.constant 0 : index
    %swap3A_566 = tpu.vector_load %arg20[%swap3A_565] {strides = array<i32>} : memref<16xf32, #tpu.memory_space<vmem>>, vector<16xf32>,
    tpu.vector_store %arg20[%swap3A_565], %add3A_564 {strides = array<i32>} : memref<16xf32, #tpu.memory_space<vmem>>, vector<16xf32>,
    %swap3A_567 = arith.constant 0 : index
    %swap3A_568 = tpu.vector_load %arg21[%swap3A_567] {strides = array<i32>} : memref<16xf32, #tpu.memory_space<vmem>>, vector<16xf32>,
    tpu.vector_store %arg21[%swap3A_567], %add3A_534 {strides = array<i32>} : memref<16xf32, #tpu.memory_space<vmem>>, vector<16xf32>,
    %mul3A_569 = arith.constant 16 : i32
    %mul3A_570 = arith.muli %add3A, %mul3A_569 : i32
    %dma_start3A_571 = tpu.memref_slice %arg7[%mul3A_570] : memref<256xf32, #tpu.memory_space<hbm>> -> memref<16xf32, #tpu.memory_space<hbm>>
    %dma_start3A_572 = tpu.memref_slice %arg7[%mul3A_570] : memref<256xf32, #tpu.memory_space<hbm>> -> memref<16xf32, #tpu.memory_space<hbm>>
    tpu.enqueue_dma source(%arg20 : memref<16xf32, #tpu.memory_space<vmem>>) target(%dma_start3A_572 : memref<16xf32, #tpu.memory_space<hbm>>) target_semaphore(%arg23 : memref<!tpu.dma_semaphore, #tpu.memory_space<semaphore_mem>>)
    %mul3A_573 = arith.constant 16 : i32
    %mul3A_574 = arith.muli %add3A, %mul3A_573 : i32
    %dma_start3A_575 = tpu.memref_slice %arg8[%mul3A_574] : memref<256xf32, #tpu.memory_space<hbm>> -> memref<16xf32, #tpu.memory_space<hbm>>
    %dma_start3A_576 = tpu.memref_slice %arg8[%mul3A_574] : memref<256xf32, #tpu.memory_space<hbm>> -> memref<16xf32, #tpu.memory_space<hbm>>
    tpu.enqueue_dma source(%arg21 : memref<16xf32, #tpu.memory_space<vmem>>) target(%dma_start3A_576 : memref<16xf32, #tpu.memory_space<hbm>>) target_semaphore(%arg23 : memref<!tpu.dma_semaphore, #tpu.memory_space<semaphore_mem>>)
    %dma_wait3A_577 = tpu.memref_slice %arg7[%mul3A_570] : memref<256xf32, #tpu.memory_space<hbm>> -> memref<16xf32, #tpu.memory_space<hbm>>
    %dma_wait3A_578 = tpu.memref_slice %arg7[%mul3A_570] : memref<256xf32, #tpu.memory_space<hbm>> -> memref<16xf32, #tpu.memory_space<hbm>>
    tpu.wait_dma2 semaphore(%arg23 : memref<!tpu.dma_semaphore, #tpu.memory_space<semaphore_mem>>) src(%arg20 : memref<16xf32, #tpu.memory_space<vmem>>) dst(%dma_wait3A_578 : memref<16xf32, #tpu.memory_space<hbm>>)
    %dma_wait3A_579 = tpu.memref_slice %arg8[%mul3A_574] : memref<256xf32, #tpu.memory_space<hbm>> -> memref<16xf32, #tpu.memory_space<hbm>>
    %dma_wait3A_580 = tpu.memref_slice %arg8[%mul3A_574] : memref<256xf32, #tpu.memory_space<hbm>> -> memref<16xf32, #tpu.memory_space<hbm>>
    tpu.wait_dma2 semaphore(%arg23 : memref<!tpu.dma_semaphore, #tpu.memory_space<semaphore_mem>>) src(%arg21 : memref<16xf32, #tpu.memory_space<vmem>>) dst(%dma_wait3A_580 : memref<16xf32, #tpu.memory_space<hbm>>)
    return
  }
}

module attributes {stable_mosaic.version = 14 : i64} {
  func.func @_reduce_body(%arg0: memref<256xf32, #tpu.memory_space<vmem>>, %arg1: memref<256xf32, #tpu.memory_space<vmem>>, %arg2: memref<8x128xf32, #tpu.memory_space<vmem>>) attributes {dimension_semantics = [], scalar_prefetch = 0 : i64, scratch_operands = 0 : i64, tpu.core_type = #tpu.core_type<tc>} {
    %get3A = arith.constant 0 : index
    %get3A_0 = vector.load %arg0[%get3A] : memref<256xf32, #tpu.memory_space<vmem>>, vector<256xf32>
    %reduce_sum3A = vector.shape_cast %get3A_0 : vector<256xf32> to vector<1x256xf32>
    %reduce_sum3A_1 = arith.constant dense<0.000000e+00> : vector<1xf32>
    %reduce_sum3A_2 = vector.multi_reduction <add>, %reduce_sum3A, %reduce_sum3A_1 [1] : vector<1x256xf32> to vector<1xf32>
    %reduce_sum3A_3 = vector.shape_cast %reduce_sum3A_2 : vector<1xf32> to vector<1x1xf32>
    %reduce_sum3A_4 = vector.extract %reduce_sum3A_3[0, 0] : f32 from vector<1x1xf32>
    %get3A_5 = arith.constant 0 : index
    %get3A_6 = vector.load %arg1[%get3A_5] : memref<256xf32, #tpu.memory_space<vmem>>, vector<256xf32>
    %reduce_sum3A_7 = vector.shape_cast %get3A_6 : vector<256xf32> to vector<1x256xf32>
    %reduce_sum3A_8 = arith.constant dense<0.000000e+00> : vector<1xf32>
    %reduce_sum3A_9 = vector.multi_reduction <add>, %reduce_sum3A_7, %reduce_sum3A_8 [1] : vector<1x256xf32> to vector<1xf32>
    %reduce_sum3A_10 = vector.shape_cast %reduce_sum3A_9 : vector<1xf32> to vector<1x1xf32>
    %reduce_sum3A_11 = vector.extract %reduce_sum3A_10[0, 0] : f32 from vector<1x1xf32>
    %mul3A = arith.constant 3.000000e+00 : f32
    %mul3A_12 = arith.mulf %reduce_sum3A_11, %mul3A : f32
    %max3A = arith.constant 1.000000e+00 : f32
    %max3A_13 = arith.maximumf %mul3A_12, %max3A : f32
    %div3A = arith.divf %reduce_sum3A_4, %max3A_13 : f32
    %broadcast_in_dim3A = vector.broadcast %div3A : f32 to vector<8x128xf32>
    %swap3A = arith.constant 0 : index
    %swap3A_14 = arith.constant 0 : index
    %swap3A_15 = vector.load %arg2[%swap3A, %swap3A_14] : memref<8x128xf32, #tpu.memory_space<vmem>>, vector<8x128xf32>
    tpu.vector_store %arg2[%swap3A, %swap3A_14], %broadcast_in_dim3A {strides = array<i32>} : memref<8x128xf32, #tpu.memory_space<vmem>>, vector<8x128xf32>,
    return
  }
}

</mosaic_0001>

<sc_bundles>
// kernel: kernel.4.cloned.1.call-start
scs
__scs_entry_jumppad:
0x0: {  	(pc) =	sbr.rel $0x88, $3  }
0x1: {  	(tag) =	ssettag $0x0;
	lr =	simm.s32 $0x1  }
0x2: {  	[smem:$0x3F9D] =	sst lr;
	_ =	strace $0xD0000000  }
0x3: {  	_ = 	snop  }
0x4: {  	_ = 	snop  }
0x5: {  	_ = 	snop  }
0x6: {  	_ = 	snop  }
0x7: {  	_ = 	snop  }
__scs_overlays_trampoline_lowered:
0x8: {  	[smem:$0x3FAC] =	sst s0  }
0x9: {  	[smem:$0x3FAD] =	sst s1  }
0xa: {  	[smem:$0x3FAE] =	sst s2  }
0xb: {  	[smem:$0x3FAF] =	sst s3  }
0xc: {  	[smem:$0x3FB0] =	sst s4  }
0xd: {  	[smem:$0x3FB1] =	sst s5  }
0xe: {  	[smem:$0x3FB2] =	sst s6  }
0xf: {  	[smem:$0x3FB3] =	sst s7  }
0x10: {  	[smem:$0x3FB4] =	sst s8  }
0x11: {  	[smem:$0x3FB5] =	sst s9;
	s0 =	simm.s32 @!p0 $0x0  }
0x12: {  	s1 =	sld [smem:$0x3F9B];
	s0 =	simm.s32 @p0 $0x1  }
0x13: {  	[smem:$0x3FB6] =	sst s0;
	s0 =	simm.s32 @!p1 $0x0  }
0x14: {  	s2 =	sld [smem:$0x3F9A];
	s0 =	simm.s32 @p1 $0x1  }
0x15: {  	[smem:$0x3FB7] =	sst s0;
	s0 =	simm.s32 @!p2 $0x0  }
0x16: {  	s3 =	sld [smem:$0x3FDB];
	s0 =	simm.s32 @p2 $0x1  }
0x17: {  	s4 =	simm.s32 $0x1BF5;
	[smem:$0x3FB9] =	sst s0  }
0x18: {  	s0 =	sld [smem:$0x3F9C];
	_ =	swait.ge [sflag:s4], $0x0  }
0x19: {  	s7 =	sld [smem:$0x3F9D]  }
0x1a: {  	s8 =	sadd.s32 $0xFFFFE003, lr  }
0x1b: {  	s9 =	sadd.s32 $0xFFFFFEF7, lr;
	s5 =	simm.s32 $0xFFFFFFFF;
	p2 =	slt.u32 s8, $0xFFFFF086  }
0x1c: {  	p1 =	slt.u32 s9, $0xF7A;
	s5 =	simm.s32 @!p2 $0x0  }
0x1d: {  	s5 =	simm.s32 @p1 $0x1;
	p0 =	seq.s32 s7, s2  }
0x1e: {  	s7 =	smul.u32 @!p0 $0xF7A, s2;
	p2 =	seq.s32 @!p0 s5, $0x0  }
0x1f: {  	s9 =	smul.u32 $0xF7A, s1;
	s8 =	simm.s32 @!p0 $0x1BF5;
	p2 =	por !p2, p0  }
0x20: {  	[sflag:s8] =	ssyncset.s32 @!p0 $0xFFFFF086;
	s6 =	sadd.s32 @!p0 s3, s7;
	s7 =	simm.s32 @!p0 $0x108  }
0x21: {  	s3 =	sadd.s32 s3, s9;
	s6 =	sadd.s32 @!p0 $0x88, s6;
	s7 =	simm.s32 @p2 $0x1082  }
0x22: {  	[simem:s7], [sflag:s8] =	dma.local @!p0 [hbm:s6], $0xF7A  }
0x23: {  	s9 =	sor.u32 $0xD0000000, s2;
	s6 =	simm.s32 $0x108;
	_ =	swait.ge @!p0 [sflag:s8], $0x0  }
0x24: {  	s3 =	sadd.s32 $0x88, s3;
	s6 =	simm.s32 @!p1 $0x1082;
	[sflag:s4] =	ssyncset.s32 $0xFFFFF086  }
0x25: {  	[simem:s6], [sflag:s4] =	dma.local [hbm:s3], $0xF7A  }
0x26: {  	[smem:$0x3F9D] =	sst s1;
	(tag) =	ssettag s2;
	_ =	strace s9  }
0x27: {  	s1 =	sld [smem:$0x3FAD]  }
0x28: {  	s2 =	sld [smem:$0x3FAE]  }
0x29: {  	s4 =	sld [smem:$0x3FB0]  }
0x2a: {  	p0 =	seq.s32 s5, $0x0;
	s5 =	sld [smem:$0x3FB1]  }
0x2b: {  	s6 =	sld [smem:$0x3FB2]  }
0x2c: {  	s7 =	sld [smem:$0x3FB3]  }
0x2d: {  	s3 =	simm.s32 $0x108;
	s8 =	sld [smem:$0x3FB4]  }
0x2e: {  	s3 =	simm.s32 @!p0 $0x1082;
	s9 =	sld [smem:$0x3FB5]  }
0x2f: {  	lr =	sadd.s32 s0, s3;
	s0 =	sld [smem:$0x3FAC]  }
0x30: {  	s3 =	sld [smem:$0x3FAF]  }
0x31: {  	[smem:$0x3FB8] =	sst s10  }
0x32: {  	s10 =	sld [smem:$0x3FB6];
	_ =	sdelay $0x3  }
0x33: {  	p0 =	seq.s32 s10, $0x1;
	s10 =	sld [smem:$0x3FB8];
	_ =	sdelay $0x3  }
0x34: {  	[smem:$0x3FB8] =	sst s10  }
0x35: {  	s10 =	sld [smem:$0x3FB7];
	_ =	sdelay $0x3  }
0x36: {  	p1 =	seq.s32 s10, $0x1;
	s10 =	sld [smem:$0x3FB8];
	_ =	sdelay $0x3  }
0x37: {  	[smem:$0x3FB8] =	sst s10  }
0x38: {  	s10 =	sld [smem:$0x3FB9]  }
0x39: {  	_ = 	snop;
	(pc) =	sbr.ind lr, $3  }
0x3a: {  	_ = 	snop  }
0x3b: {  	_ = 	snop  }
0x3c: {  	p2 =	seq.s32 s10, $0x1;
	s10 =	sld [smem:$0x3FB8]  }
0x3d: {  	_ =	shalt  }
0x3e: {  	_ =	shalt  }
0x3f: {  	_ =	shalt  }
0x40: {  	_ =	shalt  }
0x41: {  	_ =	shalt  }
0x42: {  	_ =	shalt  }
0x43: {  	_ =	shalt  }
0x44: {  	_ =	shalt  }
0x45: {  	_ =	shalt  }
0x46: {  	_ =	shalt  }
0x47: {  	_ =	shalt  }
0x48: {  	_ =	shalt  }
0x49: {  	_ =	shalt  }
0x4a: {  	_ =	shalt  }
0x4b: {  	_ =	shalt  }
0x4c: {  	_ =	shalt  }
0x4d: {  	_ =	shalt  }
0x4e: {  	_ =	shalt  }
0x4f: {  	_ =	shalt  }
0x50: {  	_ =	shalt  }
0x51: {  	_ =	shalt  }
0x52: {  	_ =	shalt  }
0x53: {  	_ =	shalt  }
0x54: {  	_ =	shalt  }
0x55: {  	_ =	shalt  }
0x56: {  	_ =	shalt  }
0x57: {  	_ =	shalt  }
0x58: {  	_ =	shalt  }
0x59: {  	_ =	shalt  }
0x5a: {  	_ =	shalt  }
0x5b: {  	_ =	shalt  }
0x5c: {  	_ =	shalt  }
0x5d: {  	_ =	shalt  }
0x5e: {  	_ =	shalt  }
0x5f: {  	_ =	shalt  }
0x60: {  	_ =	shalt  }
0x61: {  	_ =	shalt  }
0x62: {  	_ =	shalt  }
0x63: {  	_ =	shalt  }
0x64: {  	_ =	shalt  }
0x65: {  	_ =	shalt  }
0x66: {  	_ =	shalt  }
0x67: {  	_ =	shalt  }
0x68: {  	_ =	shalt  }
0x69: {  	_ =	shalt  }
0x6a: {  	_ =	shalt  }
0x6b: {  	_ =	shalt  }
0x6c: {  	_ =	shalt  }
0x6d: {  	_ =	shalt  }
0x6e: {  	_ =	shalt  }
0x6f: {  	_ =	shalt  }
0x70: {  	_ =	shalt  }
0x71: {  	_ =	shalt  }
0x72: {  	_ =	shalt  }
0x73: {  	_ =	shalt  }
0x74: {  	_ =	shalt  }
0x75: {  	_ =	shalt  }
0x76: {  	_ =	shalt  }
0x77: {  	_ =	shalt  }
0x78: {  	_ =	shalt  }
0x79: {  	_ =	shalt  }
0x7a: {  	_ =	shalt  }
0x7b: {  	_ =	shalt  }
0x7c: {  	_ =	shalt  }
0x7d: {  	_ =	shalt  }
0x7e: {  	_ =	shalt  }
0x7f: {  	_ =	shalt  }
0x80: {  	_ =	shalt  }
0x81: {  	_ =	shalt  }
0x82: {  	_ =	shalt  }
0x83: {  	_ =	shalt  }
0x84: {  	_ =	shalt  }
0x85: {  	_ =	shalt  }
0x86: {  	_ =	shalt  }
0x87: {  	_ =	shalt  }
.Lfunc_end0:
.L_simem_size_0:
called_computation_lowered:
.L_overlay_start_0:
0x88: {  	s0 =	sld [smem:$0x3FD9]  }
0x89: {  	s1 =	sld [smem:$0x3FFE];
	_ =	sdelay $0x3  }
0x8a: {  	s0 =	sadd.s32 s1, s0  }
0x8b: {  	[smem:$0x3FC4] =	sst s0  }
0x8c: {  	_ = 	snop  }
0x8d: {  	s0 =	sld [smem:$0x3FC9];
	(tm) =	ssettm $0x1  }
0x8e: {  	s16 =	sld [smem:$0x3FFB];
	_ =	sdelay $0x3  }
0x8f: {  	_ =	strace s16  }
0x90: {  	s1 =	sld [smem:$0x3FFC];
	_ =	sdelay $0x3  }
0x91: {  	_ =	strace s1  }
0x92: {  	s1 =	sld [smem:$0x3FFD];
	_ =	sdelay $0x3  }
0x93: {  	_ =	strace s1  }
0x94: {  	_ =	strace $0x8FFFFFFF  }
0x95: {  	s17 =	sld [smem:$0x3FDB];
	_ =	sdelay $0x1  }
0x96: {  	s2 =	simm.s32 $_scs_section_size  }
0x97: {  	s3 =	simm.s32 $_size__tile_overlayer_lowered;
	s4 =	simm.s32 $_tile_overlayer_lowered  }
0x98: {  	s20 =	simm.s32 $0x1BFF;
	s19 =	sshll.u32 s4, $0x1;
	s1 =	sadd.s32 s2, s17  }
0x99: {  	s5 =	simm.s32 $0x0;
	s18 =	sshll.u32 s3, $0x1;
	s3 =	sadd.s32 s19, s1  }
0x9a: {  	[timem:s5], [sflag:s20] =	dma.local [hbm:s3], s18  }
0x9b: {  	_ =	swait.ge [sflag:s20], s18  }
0x9c: {  	s2 =	ssub.s32 $0x0, s18;
	[sflag:s20] =	ssyncset.done $0x0  }
0x9d: {  	[sflag:s20] =	ssyncadd.s32 s2;
	_ =	sdelay $0x1  }
0x9e: {  	s21 =	simm.s32 $0x1B8B  }
0x9f: {  	_ =	swait.ge [sflag:s21], $0x1  }
0xa0: {  	[sflag:s21] =	ssyncset.done $0x0  }
0xa1: {  	s23 =	simm.s32 $0x1B8E;
	s22 =	sld [smem:$0x3FFE];
	[sflag:s21] =	ssyncadd.s32 $0xFFFFFFFF  }
0xa2: {  	s24 =	simm.s32 $execute0_lowered;
	[smem:$0x3FD2] =	sst s23  }
0xa3: {  	s3 =	sshll.u32 s24, $0x1;
	_ =	strace $0x80000046;
	[dreg:$0x1] =	wrdreg $0xFFFFFFFF  }
0xa4: {  	s25 =	simm.s32 $_size_execute0_lowered;
	s1 =	sadd.s32 s1, s3;
	[dreg:$0x0] =	wrdreg $0x0  }
0xa5: {  	s3 =	sshll.u32 s25, $0x1;
	[dreg:$0x2] =	wrdreg s1  }
0xa6: {  	[dreg:$0x3] =	wrdreg s3  }
0xa7: {  	[dreg:$0x4] =	wrdreg $0xC0  }
0xa8: {  	_ =	task [dreg:s5], $0x5FFFF  }
0xa9: {  	[dreg:$0x1] =	wrdreg $0xFFFFFFFF  }
0xaa: {  	[dreg:$0x0] =	wrdreg $0x60  }
0xab: {  	[dreg:$0x2] =	wrdreg s0  }
0xac: {  	[dreg:$0x3] =	wrdreg s22  }
0xad: {  	[dreg:$0x4] =	wrdreg $0x9  }
0xae: {  	_ =	task.clear_ibuf [dreg:s5], $0x5FFFF;
	_ =	strace $0x90000046  }
0xaf: {  	s26 =	simm.s32 $0x9;
	_ =	strace $0x80000048  }
0xb0: {  	_ =	swait.ge [sflag:s26], $0x1  }
0xb1: {  	[sflag:s26] =	ssyncadd.s32 $0xFFFFFFFF  }
0xb2: {  	_ =	strace $0x90000048  }
0xb3: {  	_ =	sfence  }
0xb4: {  	s28 =	sld [smem:$0x0];
	_ =	sdelay $0x1  }
0xb5: {  	s29 =	srdreg.scid  }
0xb6: {  	s30 =	sshll.u32 s29, $0xD;
	s31 =	sshrl.u32 s29, $0x2  }
0xb7: {  	s2 =	sand.u32 $0x4000, s30;
	s1 =	sand.u32 $0x1, s29;
	s0 =	sadd.s32 s31, s28  }
0xb8: {  	s1 =	sor.u32 s2, s1;
	s0 =	sshll.u32 s0, $0x11  }
0xb9: {  	s0 =	sor.u32 s0, s1  }
0xba: {  	s0 =	sadd.s32 $0x8F2B, s0  }
0xbb: {  	[sflag:s0] =	ssyncadd.remote.s32 $0x1  }
0xbc: {  	_ =	sfence.sel $0xFFFF  }
0xbd: {  	[dreg:$0x0] =	wrdreg $0xFFFFFFFF;
	(pc) =	sbr.abs _section_cstart, $3  }
0xbe: {  	[dreg:$0x1] =	wrdreg $0xFFFFFFFF  }
0xbf: {  	_ =	task.clear_ibuf [dreg:s5], $0x2FFFF;
	_ =	strace $0x9FFFFFFF  }
0xc0: {  	(tm) =	ssettm $0x7FFFFFFF  }
0xc1: {  	_ =	shalt  }
tec
execute0_lowered:
.L_overlay_start_1:
0x0: {  	(tag) =	ssettag $0x1  }
0x1: {  	s5 =	rddreg [dreg:$0x0];
	s1 =	stileid.u32  }
0x2: {  	s3 =	rddreg [dreg:$0x1];
	s2 =	simm.s32 $0x0;
	s4 =	sshll.u32 s1, $0x3  }
0x3: {  	[smem:$0x7FF] =	sst s2;
	s4 =	sadd.s32 s4, s3  }
0x4: {  	s0 =	rddreg [dreg:$0x2];
	_ =	strace $0x80000047;
	s6 =	sadd.s32 $0xA00, s4  }
0x5: {  	[tilespmem:s2], [sflag:$0x2] =	stream.linear.gather [hbm4b:s6+s2], $0x40, $0x38;
	[tilespmem:$0x18680] =	vst v63  }
0x6: {  	s8 =	simm.s32 $0x80;
	s19 =	smul.u32 $0x18, s1;
	s7 =	sadd.s32 $0xC00, s4  }
0x7: {  	[tilespmem:s8], [sflag:$0x2] =	stream.linear.gather [hbm4b:s7+s2], $0x40, $0x38;
	[tilespmem:$0x18680] =	vst v63  }
0x8: {  	s20 =	simm.s32 $0x100;
	s4 =	sadd.s32 $0x1000, s4;
	s6 =	sadd.s32 s19, s3  }
0x9: {  	[tilespmem:s20], [sflag:$0x2] =	stream.linear.gather [hbm4b:s4+s2], $0x40, $0x38;
	[tilespmem:$0x18680] =	vst v63  }
0xa: {  	s22 =	simm.s32 $0x280;
	s21 =	sadd.s32 $0xE00, s6;
	s4 =	simm.s32 $0x2  }
0xb: {  	[tilespmem:s22], [sflag:$0x2] =	stream.linear.gather [hbm4b:s21+s2], $0xC0, $0x38;
	[tilespmem:$0x18680] =	vst v63  }
0xc: {  	_ =	swait.ge [sflag:s4], $0x40  }
0xd: {  	[sflag:s4] =	ssyncset.done $0x0  }
0xe: {  	[sflag:s4] =	ssyncadd.s32 $0xFFFFFFC0  }
0xf: {  	_ =	swait.ge [sflag:s4], $0x40  }
0x10: {  	[sflag:s4] =	ssyncset.done $0x0  }
0x11: {  	[sflag:s4] =	ssyncadd.s32 $0xFFFFFFC0  }
0x12: {  	_ =	swait.ge [sflag:s4], $0x40  }
0x13: {  	[sflag:s4] =	ssyncset.done $0x0  }
0x14: {  	[sflag:s4] =	ssyncadd.s32 $0xFFFFFFC0  }
0x15: {  	v0 =	vld [tilespmem:$0x0]  }
0x16: {  	v1 =	vld [tilespmem:$0x80]  }
0x17: {  	v2 =	vld [tilespmem:$0x10]  }
0x18: {  	v3 =	vld [tilespmem:$0x90]  }
0x19: {  	v4 =	vld [tilespmem:$0x100]  }
0x1a: {  	v5 =	vld [tilespmem:$0x20]  }
0x1b: {  	v35 =	vld [tilespmem:$0xA0]  }
0x1c: {  	v7 =	vld [tilespmem:$0x110]  }
0x1d: {  	v54 =	vlaneseq.u32;
	v9 =	vld [tilespmem:$0x30]  }
0x1e: {  	v36 =	vimm.f32 $0.0e+00;
	v56 =	vand.u32 $0x7, v54;
	v10 =	vld [tilespmem:$0xB0]  }
0x1f: {  	v57 =	vshrl.u32 v54, $0x3;
	v37 =	vld [tilespmem:$0x120];
	v0 =	vmul.f32 $5.120000000e+02, v0;
	v1 =	vmul.f32 $5.120000000e+02, v1  }
0x20: {  	v2 =	vmul.f32 $5.120000000e+02, v2;
	v3 =	vmul.f32 $5.120000000e+02, v3;
	vm1 =	vne.s32 v4, $0x0  }
0x21: {  	v5 =	vmul.f32 $5.120000000e+02, v5;
	v0 =	vadd.f32 $8.388608000e+06, v0;
	v1 =	vadd.f32 $8.388608000e+06, v1  }
0x22: {  	v44 =	vld [tilespmem:$0x130];
	v4 =	vmul.f32 $5.120000000e+02, v35;
	vm6 =	vne.s32 v7, $0x0;
	v38 =	vmul.f32 $5.120000000e+02, v9  }
0x23: {  	v39 =	vmul.f32 $5.120000000e+02, v10;
	v0 =	vadd.f32 $-8.388608000e+06, v0;
	v1 =	vadd.f32 $-8.388608000e+06, v1  }
0x24: {  	vm8 =	vne.s32 v37, $0x0;
	v2 =	vadd.f32 $8.388608000e+06, v2;
	v3 =	vadd.f32 $8.388608000e+06, v3  }
0x25: {  	v5 =	vadd.f32 $8.388608000e+06, v5;
	v0 =	vtrunc.f32 v0;
	v1 =	vtrunc.f32 v1  }
0x26: {  	v4 =	vadd.f32 $8.388608000e+06, v4;
	v0 =	vcvt.f32.s32 v0;
	v1 =	vcvt.f32.s32 v1  }
0x27: {  	vm10 =	vne.s32 v44, $0x0;
	v9 =	vadd.f32 $8.388608000e+06, v39;
	v2 =	vadd.f32 $-8.388608000e+06, v2  }
0x28: {  	v3 =	vadd.f32 $-8.388608000e+06, v3;
	v5 =	vadd.f32 $-8.388608000e+06, v5;
	v6 =	vor.u32 v0, v1  }
0x29: {  	v4 =	vadd.f32 $-8.388608000e+06, v4;
	v9 =	vadd.f32 $-8.388608000e+06, v9;
	vm0 =	vlt.u32 v6, $0x200  }
0x2a: {  	v2 =	vtrunc.f32 v2;
	v3 =	vtrunc.f32 v3;
	vm0 =	vmand vm1, vm0  }
0x2b: {  	s23 =	smul.u32 $0x600, s1;
	v2 =	vcvt.f32.s32 v2;
	v3 =	vcvt.f32.s32 v3;
	v8 =	vsel vm0, $0x3F800000, v36  }
0x2c: {  	v5 =	vtrunc.f32 v5;
	v1 =	vnsel vm0, $0x0, v1;
	v0 =	vnsel vm0, $0x0, v0;
	[tilespmem:$0x180] =	vst v8  }
0x2d: {  	s24 =	sadd.s32 $0x200, s23;
	v4 =	vtrunc.f32 v4;
	v13 =	vor.u32 v2, v3;
	v11 =	vadd.s32 s23, v1;
	[tilespmem:$0x200] =	vst v0  }
0x2e: {  	s25 =	sadd.s32 $0x400, s23;
	v5 =	vcvt.f32.s32 v5;
	vm5 =	vlt.u32 v13, $0x200;
	v12 =	vadd.s32 s24, v1;
	[tilespmem:$0x380] =	vst v11  }
0x2f: {  	v4 =	vcvt.f32.s32 v4;
	vm0 =	vmand vm6, vm5;
	v1 =	vadd.s32 s25, v1;
	[tilespmem:$0x390] =	vst v12  }
0x30: {  	v48 =	vtrunc.f32 v9;
	v40 =	vsel vm0, $0x3F800000, v36;
	v8 =	vadd.f32 $8.388608000e+06, v38;
	[tilespmem:$0x3A0] =	vst v1  }
0x31: {  	v43 =	vor.u32 v5, v4;
	v3 =	vnsel vm0, $0x0, v3;
	v2 =	vnsel vm0, $0x0, v2;
	[tilespmem:$0x190] =	vst v40;
	v46 =	vld [tilespmem:$0x380]  }
0x32: {  	vm7 =	vlt.u32 v43, $0x200;
	v41 =	vadd.s32 s23, v3;
	[tilespmem:$0x210] =	vst v2;
	v8 =	vadd.f32 $-8.388608000e+06, v8  }
0x33: {  	vm0 =	vmand vm8, vm7;
	v42 =	vadd.s32 s24, v3;
	v45 =	vadd.s32 s25, v3;
	[tilespmem:$0x400] =	vst v41  }
0x34: {  	v4 =	vnsel vm0, $0x0, v4;
	v3 =	vcvt.f32.s32 v48;
	[tilespmem:$0x410] =	vst v42;
	v47 =	vtrunc.f32 v8  }
0x35: {  	v49 =	vsel vm0, $0x3F800000, v36;
	v5 =	vnsel vm0, $0x0, v5;
	[tilespmem:$0x420] =	vst v45;
	v2 =	vcvt.f32.s32 v47  }
0x36: {  	v50 =	vadd.s32 s23, v4;
	v51 =	vadd.s32 s24, v4;
	[tilespmem:$0x1A0] =	vst v49;
	v53 =	vshll.u32 v46, $0x2  }
0x37: {  	[tilespmem:$0x220] =	vst v5;
	v52 =	vor.u32 v2, v3;
	v1 =	vand.u32 $0x7, v46;
	v0 =	vand.u32 $0xFFFFFFE0, v53  }
0x38: {  	v4 =	vadd.s32 s25, v4;
	[tilespmem:$0x480] =	vst v50;
	vm9 =	vlt.u32 v52, $0x200;
	v55 =	vor.u32 v1, v0  }
0x39: {  	[tilespmem:$0x490] =	vst v51;
	vm0 =	vmand vm10, vm9;
	v1 =	vmul.u32 $0x8, v57;
	v58 =	vperm.xlane v55, v56  }
0x3a: {  	[tilespmem:$0x4A0] =	vst v4;
	v59 =	vsel vm0, $0x3F800000, v36  }
0x3b: {  	v3 =	vnsel vm0, $0x0, v3;
	v2 =	vnsel vm0, $0x0, v2;
	[tilespmem:$0x1B0] =	vst v59;
	v60 =	vadd.s32 v1, v58  }
0x3c: {  	v62 =	vor.u32 $0x8, v54;
	[tilespmem:$0x230] =	vst v2;
	v61 =	vadd.s32 s23, v3  }
0x3d: {  	v9 =	vperm.xlane v55, v62;
	v63 =	vadd.s32 s24, v3;
	[tilespmem:$0x500] =	vst v61  }
0x3e: {  	v3 =	vadd.s32 s25, v3;
	[tilespmem:$0x510] =	vst v63  }
0x3f: {  	vm11 =	vmmov $0xffff;
	s6 =	simm.s32 $0x580;
	[tilespmem:$0x520] =	vst v3;
	v10 =	vadd.s32 v1, v9  }
0x40: {  	[tilespmem:s6], [sflag:$0x1] =	stream.indirect_vreg.gather [hbm4b:s5+s2], $0x80, v60, vm11, $0xb8;
	[tilespmem:$0x18680] =	vst v63  }
0x41: {  	s26 =	simm.s32 $0xD80;
	s10 =	sadd.s32 $0x100, s5  }
0x42: {  	[tilespmem:s26], [sflag:$0x1] =	stream.indirect_vreg.gather [hbm4b:s10+s2], $0x80, v60, vm11, $0xb8;
	[tilespmem:$0x18680] =	vst v63  }
0x43: {  	s28 =	simm.s32 $0x1580  }
0x44: {  	[tilespmem:s28], [sflag:$0x1] =	stream.indirect_vreg.gather [hbm4b:s5+s2], $0x80, v10, vm11, $0xb8;
	[tilespmem:$0x18680] =	vst v63  }
0x45: {  	s29 =	simm.s32 $0x1D80  }
0x46: {  	[tilespmem:s29], [sflag:$0x1] =	stream.indirect_vreg.gather [hbm4b:s10+s2], $0x80, v10, vm11, $0xb8;
	[tilespmem:$0x18680] =	vst v63  }
0x47: {  	v3 =	vld [tilespmem:$0x390];
	_ =	sdelay $0x4  }
0x48: {  	v11 =	vshll.u32 v3, $0x2  }
0x49: {  	v3 =	vand.u32 $0x7, v3;
	v4 =	vand.u32 $0xFFFFFFE0, v11  }
0x4a: {  	v3 =	vor.u32 v3, v4  }
0x4b: {  	v4 =	vperm.xlane v3, v56;
	_ =	sdelay $0x1  }
0x4c: {  	v4 =	vadd.s32 v1, v4;
	_ =	sdelay $0x1  }
0x4d: {  	v3 =	vperm.xlane v3, v62;
	_ =	sdelay $0x1  }
0x4e: {  	s30 =	simm.s32 $0x2580;
	v3 =	vadd.s32 v1, v3  }
0x4f: {  	[tilespmem:s30], [sflag:$0x1] =	stream.indirect_vreg.gather [hbm4b:s5+s2], $0x80, v4, vm11, $0xb8;
	[tilespmem:$0x18680] =	vst v63  }
0x50: {  	s31 =	simm.s32 $0x2D80  }
0x51: {  	[tilespmem:s31], [sflag:$0x1] =	stream.indirect_vreg.gather [hbm4b:s10+s2], $0x80, v4, vm11, $0xb8;
	[tilespmem:$0x18680] =	vst v63  }
0x52: {  	s8 =	simm.s32 $0x3580  }
0x53: {  	[tilespmem:s8], [sflag:$0x1] =	stream.indirect_vreg.gather [hbm4b:s5+s2], $0x80, v3, vm11, $0xb8;
	[tilespmem:$0x18680] =	vst v63  }
0x54: {  	s9 =	simm.s32 $0x3D80  }
0x55: {  	[tilespmem:s9], [sflag:$0x1] =	stream.indirect_vreg.gather [hbm4b:s10+s2], $0x80, v3, vm11, $0xb8;
	[tilespmem:$0x18680] =	vst v63  }
0x56: {  	v3 =	vld [tilespmem:$0x3A0];
	_ =	sdelay $0x4  }
0x57: {  	v12 =	vshll.u32 v3, $0x2  }
0x58: {  	v3 =	vand.u32 $0x7, v3;
	v4 =	vand.u32 $0xFFFFFFE0, v12  }
0x59: {  	v3 =	vor.u32 v3, v4  }
0x5a: {  	v4 =	vperm.xlane v3, v56;
	_ =	sdelay $0x1  }
0x5b: {  	v4 =	vadd.s32 v1, v4;
	_ =	sdelay $0x1  }
0x5c: {  	v3 =	vperm.xlane v3, v62;
	_ =	sdelay $0x1  }
0x5d: {  	s11 =	simm.s32 $0x4580;
	v3 =	vadd.s32 v1, v3  }
0x5e: {  	[tilespmem:s11], [sflag:$0x1] =	stream.indirect_vreg.gather [hbm4b:s5+s2], $0x80, v4, vm11, $0xb8;
	[tilespmem:$0x18680] =	vst v63  }
0x5f: {  	s12 =	simm.s32 $0x4D80  }
0x60: {  	[tilespmem:s12], [sflag:$0x1] =	stream.indirect_vreg.gather [hbm4b:s10+s2], $0x80, v4, vm11, $0xb8;
	[tilespmem:$0x18680] =	vst v63  }
0x61: {  	s13 =	simm.s32 $0x5580  }
0x62: {  	[tilespmem:s13], [sflag:$0x1] =	stream.indirect_vreg.gather [hbm4b:s5+s2], $0x80, v3, vm11, $0xb8;
	[tilespmem:$0x18680] =	vst v63  }
0x63: {  	s14 =	simm.s32 $0x5D80  }
0x64: {  	[tilespmem:s14], [sflag:$0x1] =	stream.indirect_vreg.gather [hbm4b:s10+s2], $0x80, v3, vm11, $0xb8;
	[tilespmem:$0x18680] =	vst v63  }
0x65: {  	v3 =	vld [tilespmem:$0x400];
	_ =	sdelay $0x4  }
0x66: {  	v13 =	vshll.u32 v3, $0x2  }
0x67: {  	v3 =	vand.u32 $0x7, v3;
	v4 =	vand.u32 $0xFFFFFFE0, v13  }
0x68: {  	v3 =	vor.u32 v3, v4  }
0x69: {  	v4 =	vperm.xlane v3, v56;
	_ =	sdelay $0x1  }
0x6a: {  	v4 =	vadd.s32 v1, v4;
	_ =	sdelay $0x1  }
0x6b: {  	v3 =	vperm.xlane v3, v62;
	_ =	sdelay $0x1  }
0x6c: {  	s7 =	simm.s32 $0x6580;
	v3 =	vadd.s32 v1, v3  }
0x6d: {  	[tilespmem:s7], [sflag:$0x1] =	stream.indirect_vreg.gather [hbm4b:s5+s2], $0x80, v4, vm11, $0xb8;
	[tilespmem:$0x18680] =	vst v63  }
0x6e: {  	s15 =	simm.s32 $0x6D80  }
0x6f: {  	[tilespmem:s15], [sflag:$0x1] =	stream.indirect_vreg.gather [hbm4b:s10+s2], $0x80, v4, vm11, $0xb8;
	[tilespmem:$0x18680] =	vst v63  }
0x70: {  	s16 =	simm.s32 $0x7580  }
0x71: {  	[tilespmem:s16], [sflag:$0x1] =	stream.indirect_vreg.gather [hbm4b:s5+s2], $0x80, v3, vm11, $0xb8;
	[tilespmem:$0x18680] =	vst v63  }
0x72: {  	s17 =	simm.s32 $0x7D80  }
0x73: {  	[tilespmem:s17], [sflag:$0x1] =	stream.indirect_vreg.gather [hbm4b:s10+s2], $0x80, v3, vm11, $0xb8;
	[tilespmem:$0x18680] =	vst v63  }
0x74: {  	v3 =	vld [tilespmem:$0x410];
	_ =	sdelay $0x4  }
0x75: {  	v14 =	vshll.u32 v3, $0x2  }
0x76: {  	v3 =	vand.u32 $0x7, v3;
	v4 =	vand.u32 $0xFFFFFFE0, v14  }
0x77: {  	v3 =	vor.u32 v3, v4  }
0x78: {  	v4 =	vperm.xlane v3, v56;
	_ =	sdelay $0x1  }
0x79: {  	v4 =	vadd.s32 v1, v4;
	_ =	sdelay $0x1  }
0x7a: {  	v3 =	vperm.xlane v3, v62;
	_ =	sdelay $0x1  }
0x7b: {  	s18 =	simm.s32 $0x8580;
	v3 =	vadd.s32 v1, v3  }
0x7c: {  	[tilespmem:s18], [sflag:$0x1] =	stream.indirect_vreg.gather [hbm4b:s5+s2], $0x80, v4, vm11, $0xb8;
	[tilespmem:$0x18680] =	vst v63  }
0x7d: {  	s19 =	simm.s32 $0x8D80  }
0x7e: {  	[tilespmem:s19], [sflag:$0x1] =	stream.indirect_vreg.gather [hbm4b:s10+s2], $0x80, v4, vm11, $0xb8;
	[tilespmem:$0x18680] =	vst v63  }
0x7f: {  	s20 =	simm.s32 $0x9580  }
0x80: {  	[tilespmem:s20], [sflag:$0x1] =	stream.indirect_vreg.gather [hbm4b:s5+s2], $0x80, v3, vm11, $0xb8;
	[tilespmem:$0x18680] =	vst v63  }
0x81: {  	s21 =	simm.s32 $0x9D80  }
0x82: {  	[tilespmem:s21], [sflag:$0x1] =	stream.indirect_vreg.gather [hbm4b:s10+s2], $0x80, v3, vm11, $0xb8;
	[tilespmem:$0x18680] =	vst v63  }
0x83: {  	v3 =	vld [tilespmem:$0x420];
	_ =	sdelay $0x4  }
0x84: {  	v15 =	vshll.u32 v3, $0x2  }
0x85: {  	v3 =	vand.u32 $0x7, v3;
	v4 =	vand.u32 $0xFFFFFFE0, v15  }
0x86: {  	v3 =	vor.u32 v3, v4  }
0x87: {  	v4 =	vperm.xlane v3, v56;
	_ =	sdelay $0x1  }
0x88: {  	v4 =	vadd.s32 v1, v4;
	_ =	sdelay $0x1  }
0x89: {  	v3 =	vperm.xlane v3, v62;
	_ =	sdelay $0x1  }
0x8a: {  	s22 =	simm.s32 $0xA580;
	v3 =	vadd.s32 v1, v3  }
0x8b: {  	[tilespmem:s22], [sflag:$0x1] =	stream.indirect_vreg.gather [hbm4b:s5+s2], $0x80, v4, vm11, $0xb8;
	[tilespmem:$0x18680] =	vst v63  }
0x8c: {  	s23 =	simm.s32 $0xAD80  }
0x8d: {  	[tilespmem:s23], [sflag:$0x1] =	stream.indirect_vreg.gather [hbm4b:s10+s2], $0x80, v4, vm11, $0xb8;
	[tilespmem:$0x18680] =	vst v63  }
0x8e: {  	s24 =	simm.s32 $0xB580  }
0x8f: {  	[tilespmem:s24], [sflag:$0x1] =	stream.indirect_vreg.gather [hbm4b:s5+s2], $0x80, v3, vm11, $0xb8;
	[tilespmem:$0x18680] =	vst v63  }
0x90: {  	s25 =	simm.s32 $0xBD80  }
0x91: {  	[tilespmem:s25], [sflag:$0x1] =	stream.indirect_vreg.gather [hbm4b:s10+s2], $0x80, v3, vm11, $0xb8;
	[tilespmem:$0x18680] =	vst v63  }
0x92: {  	v3 =	vld [tilespmem:$0x480];
	_ =	sdelay $0x4  }
0x93: {  	v16 =	vshll.u32 v3, $0x2  }
0x94: {  	v3 =	vand.u32 $0x7, v3;
	v4 =	vand.u32 $0xFFFFFFE0, v16  }
0x95: {  	v3 =	vor.u32 v3, v4  }
0x96: {  	v4 =	vperm.xlane v3, v56;
	_ =	sdelay $0x1  }
0x97: {  	v4 =	vadd.s32 v1, v4;
	_ =	sdelay $0x1  }
0x98: {  	v3 =	vperm.xlane v3, v62;
	_ =	sdelay $0x1  }
0x99: {  	s8 =	simm.s32 $0xC580;
	v3 =	vadd.s32 v1, v3  }
0x9a: {  	[tilespmem:s8], [sflag:$0x1] =	stream.indirect_vreg.gather [hbm4b:s5+s2], $0x80, v4, vm11, $0xb8;
	[tilespmem:$0x18680] =	vst v63  }
0x9b: {  	s9 =	simm.s32 $0xCD80  }
0x9c: {  	[tilespmem:s9], [sflag:$0x1] =	stream.indirect_vreg.gather [hbm4b:s10+s2], $0x80, v4, vm11, $0xb8;
	[tilespmem:$0x18680] =	vst v63  }
0x9d: {  	s26 =	simm.s32 $0xD580  }
0x9e: {  	[tilespmem:s26], [sflag:$0x1] =	stream.indirect_vreg.gather [hbm4b:s5+s2], $0x80, v3, vm11, $0xb8;
	[tilespmem:$0x18680] =	vst v63  }
0x9f: {  	s28 =	simm.s32 $0xDD80  }
0xa0: {  	[tilespmem:s28], [sflag:$0x1] =	stream.indirect_vreg.gather [hbm4b:s10+s2], $0x80, v3, vm11, $0xb8;
	[tilespmem:$0x18680] =	vst v63  }
0xa1: {  	v3 =	vld [tilespmem:$0x490];
	_ =	sdelay $0x4  }
0xa2: {  	v17 =	vshll.u32 v3, $0x2  }
0xa3: {  	v3 =	vand.u32 $0x7, v3;
	v4 =	vand.u32 $0xFFFFFFE0, v17  }
0xa4: {  	v3 =	vor.u32 v3, v4  }
0xa5: {  	v4 =	vperm.xlane v3, v56;
	_ =	sdelay $0x1  }
0xa6: {  	v4 =	vadd.s32 v1, v4;
	_ =	sdelay $0x1  }
0xa7: {  	v3 =	vperm.xlane v3, v62;
	_ =	sdelay $0x1  }
0xa8: {  	s29 =	simm.s32 $0xE580;
	v3 =	vadd.s32 v1, v3  }
0xa9: {  	[tilespmem:s29], [sflag:$0x1] =	stream.indirect_vreg.gather [hbm4b:s5+s2], $0x80, v4, vm11, $0xb8;
	[tilespmem:$0x18680] =	vst v63  }
0xaa: {  	s30 =	simm.s32 $0xED80  }
0xab: {  	[tilespmem:s30], [sflag:$0x1] =	stream.indirect_vreg.gather [hbm4b:s10+s2], $0x80, v4, vm11, $0xb8;
	[tilespmem:$0x18680] =	vst v63  }
0xac: {  	s31 =	simm.s32 $0xF580  }
0xad: {  	[tilespmem:s31], [sflag:$0x1] =	stream.indirect_vreg.gather [hbm4b:s5+s2], $0x80, v3, vm11, $0xb8;
	[tilespmem:$0x18680] =	vst v63  }
0xae: {  	s11 =	simm.s32 $0xFD80  }
0xaf: {  	[tilespmem:s11], [sflag:$0x1] =	stream.indirect_vreg.gather [hbm4b:s10+s2], $0x80, v3, vm11, $0xb8;
	[tilespmem:$0x18680] =	vst v63  }
0xb0: {  	v3 =	vld [tilespmem:$0x4A0];
	_ =	sdelay $0x4  }
0xb1: {  	v18 =	vshll.u32 v3, $0x2  }
0xb2: {  	v3 =	vand.u32 $0x7, v3;
	v4 =	vand.u32 $0xFFFFFFE0, v18  }
0xb3: {  	v3 =	vor.u32 v3, v4  }
0xb4: {  	v4 =	vperm.xlane v3, v56;
	_ =	sdelay $0x1  }
0xb5: {  	v4 =	vadd.s32 v1, v4;
	_ =	sdelay $0x1  }
0xb6: {  	v3 =	vperm.xlane v3, v62;
	_ =	sdelay $0x1  }
0xb7: {  	s12 =	simm.s32 $0x10580;
	v3 =	vadd.s32 v1, v3  }
0xb8: {  	[tilespmem:s12], [sflag:$0x1] =	stream.indirect_vreg.gather [hbm4b:s5+s2], $0x80, v4, vm11, $0xb8;
	[tilespmem:$0x18680] =	vst v63  }
0xb9: {  	s13 =	simm.s32 $0x10D80  }
0xba: {  	[tilespmem:s13], [sflag:$0x1] =	stream.indirect_vreg.gather [hbm4b:s10+s2], $0x80, v4, vm11, $0xb8;
	[tilespmem:$0x18680] =	vst v63  }
0xbb: {  	s14 =	simm.s32 $0x11580  }
0xbc: {  	[tilespmem:s14], [sflag:$0x1] =	stream.indirect_vreg.gather [hbm4b:s5+s2], $0x80, v3, vm11, $0xb8;
	[tilespmem:$0x18680] =	vst v63  }
0xbd: {  	s15 =	simm.s32 $0x11D80  }
0xbe: {  	[tilespmem:s15], [sflag:$0x1] =	stream.indirect_vreg.gather [hbm4b:s10+s2], $0x80, v3, vm11, $0xb8;
	[tilespmem:$0x18680] =	vst v63  }
0xbf: {  	v3 =	vld [tilespmem:$0x500];
	_ =	sdelay $0x4  }
0xc0: {  	v19 =	vshll.u32 v3, $0x2  }
0xc1: {  	v3 =	vand.u32 $0x7, v3;
	v4 =	vand.u32 $0xFFFFFFE0, v19  }
0xc2: {  	v3 =	vor.u32 v3, v4  }
0xc3: {  	v4 =	vperm.xlane v3, v56;
	_ =	sdelay $0x1  }
0xc4: {  	v4 =	vadd.s32 v1, v4;
	_ =	sdelay $0x1  }
0xc5: {  	v3 =	vperm.xlane v3, v62;
	_ =	sdelay $0x1  }
0xc6: {  	s16 =	simm.s32 $0x12580;
	v3 =	vadd.s32 v1, v3  }
0xc7: {  	[tilespmem:s16], [sflag:$0x1] =	stream.indirect_vreg.gather [hbm4b:s5+s2], $0x80, v4, vm11, $0xb8;
	[tilespmem:$0x18680] =	vst v63  }
0xc8: {  	s11 =	simm.s32 $0x12D80  }
0xc9: {  	[tilespmem:s11], [sflag:$0x1] =	stream.indirect_vreg.gather [hbm4b:s10+s2], $0x80, v4, vm11, $0xb8;
	[tilespmem:$0x18680] =	vst v63  }
0xca: {  	s17 =	simm.s32 $0x13580  }
0xcb: {  	[tilespmem:s17], [sflag:$0x1] =	stream.indirect_vreg.gather [hbm4b:s5+s2], $0x80, v3, vm11, $0xb8;
	[tilespmem:$0x18680] =	vst v63  }
0xcc: {  	s18 =	simm.s32 $0x13D80  }
0xcd: {  	[tilespmem:s18], [sflag:$0x1] =	stream.indirect_vreg.gather [hbm4b:s10+s2], $0x80, v3, vm11, $0xb8;
	[tilespmem:$0x18680] =	vst v63  }
0xce: {  	v3 =	vld [tilespmem:$0x510];
	_ =	sdelay $0x4  }
0xcf: {  	v20 =	vshll.u32 v3, $0x2  }
0xd0: {  	v3 =	vand.u32 $0x7, v3;
	v4 =	vand.u32 $0xFFFFFFE0, v20  }
0xd1: {  	v3 =	vor.u32 v3, v4  }
0xd2: {  	v4 =	vperm.xlane v3, v56;
	_ =	sdelay $0x1  }
0xd3: {  	v4 =	vadd.s32 v1, v4;
	_ =	sdelay $0x1  }
0xd4: {  	v3 =	vperm.xlane v3, v62;
	_ =	sdelay $0x1  }
0xd5: {  	s19 =	simm.s32 $0x14580;
	v3 =	vadd.s32 v1, v3  }
0xd6: {  	[tilespmem:s19], [sflag:$0x1] =	stream.indirect_vreg.gather [hbm4b:s5+s2], $0x80, v4, vm11, $0xb8;
	[tilespmem:$0x18680] =	vst v63  }
0xd7: {  	s20 =	simm.s32 $0x14D80  }
0xd8: {  	[tilespmem:s20], [sflag:$0x1] =	stream.indirect_vreg.gather [hbm4b:s10+s2], $0x80, v4, vm11, $0xb8;
	[tilespmem:$0x18680] =	vst v63  }
0xd9: {  	s21 =	simm.s32 $0x15580  }
0xda: {  	[tilespmem:s21], [sflag:$0x1] =	stream.indirect_vreg.gather [hbm4b:s5+s2], $0x80, v3, vm11, $0xb8;
	[tilespmem:$0x18680] =	vst v63  }
0xdb: {  	s22 =	simm.s32 $0x15D80  }
0xdc: {  	[tilespmem:s22], [sflag:$0x1] =	stream.indirect_vreg.gather [hbm4b:s10+s2], $0x80, v3, vm11, $0xb8;
	[tilespmem:$0x18680] =	vst v63  }
0xdd: {  	v3 =	vld [tilespmem:$0x520];
	_ =	sdelay $0x4  }
0xde: {  	v21 =	vshll.u32 v3, $0x2  }
0xdf: {  	v3 =	vand.u32 $0x7, v3;
	v4 =	vand.u32 $0xFFFFFFE0, v21  }
0xe0: {  	v3 =	vor.u32 v3, v4  }
0xe1: {  	v0 =	vperm.xlane v3, v56;
	_ =	sdelay $0x1  }
0xe2: {  	v0 =	vadd.s32 v1, v0;
	_ =	sdelay $0x1  }
0xe3: {  	v2 =	vperm.xlane v3, v62;
	_ =	sdelay $0x1  }
0xe4: {  	v23 =	vimm.s32 $0x1380;
	s23 =	simm.s32 $0x16580;
	v1 =	vadd.s32 v1, v2  }
0xe5: {  	vm2 =	vcmask $0x1310;
	vm3 =	vcmask $0x1714;
	vm4 =	vcmask $0x1B18;
	[tilespmem:s23], [sflag:$0x1] =	stream.indirect_vreg.gather [hbm4b:s5+s2], $0x80, v0, vm11, $0xb8;
	[tilespmem:$0x18680] =	vst v63  }
0xe6: {  	v25 =	vimm.s32 $0x3380;
	v26 =	vimm.s32 $0x5380;
	vm12 =	vcmask $0x2F2C;
	s24 =	simm.s32 $0x16D80  }
0xe7: {  	vm13 =	vcmask $0x3330;
	vm14 =	vcmask $0x3734;
	vm15 =	vcmask $0x3B38;
	[tilespmem:s24], [sflag:$0x1] =	stream.indirect_vreg.gather [hbm4b:s10+s2], $0x80, v0, vm11, $0xb8;
	[tilespmem:$0x18680] =	vst v63  }
0xe8: {  	vm1 =	vcmask $0x2724;
	vm6 =	vcmask $0x300;
	vm5 =	vcmask $0x1F1C;
	s25 =	simm.s32 $0x17580  }
0xe9: {  	vm7 =	vcmask $0x704;
	vm8 =	vcmask $0xB08;
	vm9 =	vcmask $0xF0C;
	[tilespmem:s25], [sflag:$0x1] =	stream.indirect_vreg.gather [hbm4b:s5+s2], $0x80, v1, vm11, $0xb8;
	[tilespmem:$0x18680] =	vst v63  }
0xea: {  	vm10 =	vcmask $0x2B28;
	vm0 =	vcmask $0x2320;
	s26 =	simm.s32 $0x17D80;
	v3 =	vsel vm6, $0x2000, v25  }
0xeb: {  	v4 =	vsel vm6, $0x4000, v26;
	v3 =	vsel vm7, $0x2080, v3;
	[tilespmem:s26], [sflag:$0x1] =	stream.indirect_vreg.gather [hbm4b:s10+s2], $0x80, v1, vm11, $0xb8;
	v1 =	vsel vm6, $0x0, v23;
	[tilespmem:$0x18680] =	vst v63  }
0xec: {  	v4 =	vsel vm7, $0x4080, v4;
	v3 =	vsel vm8, $0x2100, v3;
	_ =	swait.ge [sflag:s4], $0xC0;
	v1 =	vsel vm7, $0x80, v1  }
0xed: {  	v4 =	vsel vm8, $0x4100, v4;
	v3 =	vsel vm9, $0x2180, v3;
	[sflag:s4] =	ssyncset.done $0x0;
	v1 =	vsel vm8, $0x100, v1  }
0xee: {  	s28 =	simm.s32 $0x1;
	v4 =	vsel vm9, $0x4180, v4;
	v3 =	vsel vm2, $0x2200, v3;
	[sflag:s4] =	ssyncadd.s32 $0xFFFFFF40;
	v1 =	vsel vm9, $0x180, v1  }
0xef: {  	v4 =	vsel vm2, $0x4200, v4;
	v3 =	vsel vm3, $0x2280, v3;
	_ =	swait.ge [sflag:s28], $0x6000;
	v1 =	vsel vm2, $0x200, v1  }
0xf0: {  	v4 =	vsel vm3, $0x4280, v4;
	v3 =	vsel vm4, $0x2300, v3;
	[sflag:s28] =	ssyncset.done $0x0;
	v1 =	vsel vm3, $0x280, v1  }
0xf1: {  	v4 =	vsel vm4, $0x4300, v4;
	v3 =	vsel vm5, $0x2380, v3;
	[sflag:s28] =	ssyncadd.s32 $0xFFFFA000;
	v1 =	vsel vm4, $0x300, v1  }
0xf2: {  	v4 =	vsel vm5, $0x4380, v4;
	v3 =	vsel vm0, $0x3000, v3;
	v22 =	vld [tilespmem:$0x200];
	v1 =	vsel vm5, $0x380, v1  }
0xf3: {  	v4 =	vsel vm0, $0x5000, v4;
	v3 =	vsel vm1, $0x3080, v3;
	v1 =	vsel vm0, $0x1000, v1  }
0xf4: {  	v4 =	vsel vm1, $0x5080, v4;
	v3 =	vsel vm10, $0x3100, v3;
	v1 =	vsel vm1, $0x1080, v1  }
0xf5: {  	v28 =	vsel vm10, $0x5100, v4;
	v3 =	vsel vm12, $0x3180, v3;
	v1 =	vsel vm10, $0x1100, v1  }
0xf6: {  	v27 =	vsel vm13, $0x3200, v3;
	v3 =	vsel vm12, $0x5180, v28;
	v1 =	vsel vm12, $0x1180, v1  }
0xf7: {  	v2 =	vsel vm14, $0x3280, v27;
	v0 =	vshll.u32 v22, $0x3;
	v1 =	vsel vm13, $0x1200, v1  }
0xf8: {  	v24 =	vand.u32 $0x7F, v22;
	v0 =	vand.u32 $0xFFFFFC00, v0;
	v1 =	vsel vm14, $0x1280, v1  }
0xf9: {  	v3 =	vsel vm13, $0x5200, v3;
	v1 =	vsel vm15, $0x1300, v1;
	v0 =	vor.u32 v24, v0  }
0xfa: {  	v2 =	vsel vm15, $0x3300, v2;
	v3 =	vsel vm14, $0x5280, v3;
	v29 =	vadd.s32 v1, v0  }
0xfb: {  	v3 =	vsel vm15, $0x5300, v3;
	v31 =	vld [tilespmem:$0x180];
	v30 =	vadd.s32 v2, v0  }
0xfc: {  	v32 =	vld [tilespmem:$0x280];
	v0 =	vadd.s32 v3, v0  }
0xfd: {  	v33 =	vld [tilespmem:$0x2C0]  }
0xfe: {  	v34 =	vld [tilespmem:$0x300]  }
0xff: {  	v4 =	vld.idx.msk [tilespmem:v29+s6+$0x0], $0xffff  }
0x100: {  	v5 =	vld.idx.msk [tilespmem:v30+s6+$0x0], $0xffff  }
0x101: {  	v0 =	vld.idx.msk [tilespmem:v0+s6+$0x0], $0xffff;
	_ =	swait.ge [sflag:s28], $0x6000  }
0x102: {  	[sflag:s28] =	ssyncset.done $0x0  }
0x103: {  	[sflag:s28] =	ssyncadd.s32 $0xFFFFA000  }
0x104: {  	v35 =	vld [tilespmem:$0x210];
	_ =	sdelay $0x4  }
0x105: {  	v36 =	vshll.u32 v35, $0x3  }
0x106: {  	v10 =	vand.u32 $0x7F, v35;
	v11 =	vand.u32 $0xFFFFFC00, v36  }
0x107: {  	v10 =	vor.u32 v10, v11  }
0x108: {  	v11 =	vadd.s32 v1, v10  }
0x109: {  	v38 =	vld [tilespmem:$0x190];
	v37 =	vadd.s32 v2, v10  }
0x10a: {  	v14 =	vld [tilespmem:$0x290];
	v10 =	vadd.s32 v3, v10  }
0x10b: {  	v15 =	vld [tilespmem:$0x2D0]  }
0x10c: {  	v16 =	vld [tilespmem:$0x310]  }
0x10d: {  	v11 =	vld.idx.msk [tilespmem:v11+s7+$0x0], $0xffff  }
0x10e: {  	v12 =	vld.idx.msk [tilespmem:v37+s7+$0x0], $0xffff  }
0x10f: {  	v10 =	vld.idx.msk [tilespmem:v10+s7+$0x0], $0xffff;
	_ =	swait.ge [sflag:s28], $0x6000  }
0x110: {  	[sflag:s28] =	ssyncset.done $0x0  }
0x111: {  	[sflag:s28] =	ssyncadd.s32 $0xFFFFA000  }
0x112: {  	v17 =	vld [tilespmem:$0x220];
	_ =	sdelay $0x4  }
0x113: {  	v18 =	vshll.u32 v17, $0x3  }
0x114: {  	v17 =	vand.u32 $0x7F, v17;
	v18 =	vand.u32 $0xFFFFFC00, v18  }
0x115: {  	v17 =	vor.u32 v17, v18  }
0x116: {  	v18 =	vadd.s32 v1, v17  }
0x117: {  	v20 =	vld [tilespmem:$0x1A0];
	v19 =	vadd.s32 v2, v17  }
0x118: {  	v21 =	vld [tilespmem:$0x2A0];
	v17 =	vadd.s32 v3, v17  }
0x119: {  	v22 =	vld [tilespmem:$0x2E0]  }
0x11a: {  	v23 =	vld [tilespmem:$0x320]  }
0x11b: {  	v18 =	vld.idx.msk [tilespmem:v18+s8+$0x0], $0xffff  }
0x11c: {  	v19 =	vld.idx.msk [tilespmem:v19+s8+$0x0], $0xffff  }
0x11d: {  	v17 =	vld.idx.msk [tilespmem:v17+s8+$0x0], $0xffff;
	_ =	swait.ge [sflag:s28], $0x6000  }
0x11e: {  	[sflag:s28] =	ssyncset.done $0x0  }
0x11f: {  	[sflag:s28] =	ssyncadd.s32 $0xFFFFA000  }
0x120: {  	v4 =	vsub.f32 v4, v32;
	v39 =	vld [tilespmem:$0x230];
	_ =	sdelay $0x1  }
0x121: {  	v5 =	vsub.f32 v5, v33;
	v0 =	vsub.f32 v0, v34;
	v4 =	vand.u32 $0x7FFFFFFF, v4  }
0x122: {  	v4 =	vmul.f32 v4, v31  }
0x123: {  	v5 =	vand.u32 $0x7FFFFFFF, v5;
	v0 =	vand.u32 $0x7FFFFFFF, v0  }
0x124: {  	v5 =	vmul.f32 v5, v31;
	v4 =	vadd.f32 $0.0e+00, v4;
	v40 =	vshll.u32 v39, $0x3  }
0x125: {  	v41 =	vsub.f32 v11, v14;
	v7 =	vand.u32 $0x7F, v39;
	v8 =	vand.u32 $0xFFFFFC00, v40  }
0x126: {  	v0 =	vmul.f32 v0, v31;
	v4 =	vadd.f32 v5, v4;
	v7 =	vor.u32 v7, v8  }
0x127: {  	v42 =	vsub.f32 v12, v15;
	v43 =	vand.u32 $0x7FFFFFFF, v41;
	v1 =	vadd.s32 v1, v7  }
0x128: {  	v0 =	vadd.f32 v0, v4;
	v44 =	vmul.f32 v43, v38  }
0x129: {  	v45 =	vsub.f32 v10, v16;
	v5 =	vand.u32 $0x7FFFFFFF, v42;
	v2 =	vadd.s32 v2, v7  }
0x12a: {  	v46 =	vmul.f32 v5, v38;
	v0 =	vadd.f32 v44, v0;
	v47 =	vld [tilespmem:$0x1B0]  }
0x12b: {  	v50 =	vld [tilespmem:$0x2B0];
	v48 =	vsub.f32 v18, v21;
	v8 =	vand.u32 $0x7FFFFFFF, v45;
	v3 =	vadd.s32 v3, v7  }
0x12c: {  	v0 =	vadd.f32 v46, v0;
	v49 =	vmul.f32 v8, v38;
	v1 =	vld.idx.msk [tilespmem:v1+s16+$0x0], $0xffff  }
0x12d: {  	v53 =	vld [tilespmem:$0x2F0];
	v51 =	vsub.f32 v19, v22;
	v7 =	vand.u32 $0x7FFFFFFF, v48  }
0x12e: {  	v52 =	vmul.f32 v7, v20;
	v0 =	vadd.f32 v49, v0;
	v2 =	vld.idx.msk [tilespmem:v2+s16+$0x0], $0xffff  }
0x12f: {  	v56 =	vld [tilespmem:$0x330];
	v54 =	vsub.f32 v17, v23;
	v9 =	vand.u32 $0x7FFFFFFF, v51  }
0x130: {  	v55 =	vmul.f32 v9, v20;
	v0 =	vadd.f32 v52, v0;
	v3 =	vld.idx.msk [tilespmem:v3+s16+$0x0], $0xffff  }
0x131: {  	v57 =	vand.u32 $0x7FFFFFFF, v54;
	v1 =	vsub.f32 v1, v50  }
0x132: {  	v58 =	vmul.f32 v57, v20;
	v0 =	vadd.f32 v55, v0  }
0x133: {  	v59 =	vadd.f32 $0.0e+00, v31;
	v2 =	vsub.f32 v2, v53;
	v1 =	vand.u32 $0x7FFFFFFF, v1  }
0x134: {  	v0 =	vadd.f32 v58, v0;
	v1 =	vmul.f32 v1, v47  }
0x135: {  	v61 =	vadd.f32 v38, v59;
	v3 =	vsub.f32 v3, v56;
	v2 =	vand.u32 $0x7FFFFFFF, v2  }
0x136: {  	v60 =	vmul.f32 v2, v47;
	v0 =	vadd.f32 v1, v0  }
0x137: {  	v3 =	vand.u32 $0x7FFFFFFF, v3;
	v2 =	vadd.f32 v20, v61  }
0x138: {  	v62 =	vmul.f32 v3, v47;
	v0 =	vadd.f32 v60, v0  }
0x139: {  	v63 =	vadd.f32 v47, v2  }
0x13a: {  	s29 =	sshll.u32 s1, $0x1;
	v0 =	vadd.f32 v62, v0  }
0x13b: {  	s3 =	sadd.s32 s29, s3;
	[tilespmem:$0x18600] =	vst v63  }
0x13c: {  	s30 =	simm.s32 $0x18580;
	s5 =	sadd.s32 $0x1200, s3;
	[tilespmem:$0x18580] =	vst v0  }
0x13d: {  	[hbm4b:s5+s2] =	stream.linear.scatter [tilespmem:s30], [sflag:$0x2], $0x10, $0x38;
	[tilespmem:$0x18680] =	vst v63  }
0x13e: {  	s31 =	simm.s32 $0x18600;
	s3 =	sadd.s32 $0x1400, s3  }
0x13f: {  	[hbm4b:s3+s2] =	stream.linear.scatter [tilespmem:s31], [sflag:$0x2], $0x10, $0x38;
	[tilespmem:$0x18680] =	vst v63  }
0x140: {  	_ =	swait.ge [sflag:s4], $0x10  }
0x141: {  	[sflag:s4] =	ssyncset.done $0x0  }
0x142: {  	[sflag:s4] =	ssyncadd.s32 $0xFFFFFFF0  }
0x143: {  	_ =	swait.ge [sflag:s4], $0x10  }
0x144: {  	[sflag:s4] =	ssyncset.done $0x0  }
0x145: {  	[sflag:s4] =	ssyncadd.s32 $0xFFFFFFF0  }
0x146: {  	_ =	sfence.sel $0x180000  }
0x147: {  	[bflag:$0x0] =	sbarrier.arrive $0xFFFF  }
0x148: {  	p0 =	sne.s32 s1, $0x0;
	_ =	strace $0x90000047  }
0x149: {  	s0 =	sadd.s32 @!p0 $0x100000, s0;
	[bflag:$0x2] =	sbarrier.arrive $0xFFFF  }
0x14a: {  	[sflag:s0] =	ssyncadd.tile.s32 @!p0 $0x1;
	_ =	shalt  }
.Lfunc_end2:
_tile_overlayer_lowered:
.L_overlay_start_2:
0x14b: {  	(tag) =	ssettag $0x2  }
0x14c: {  	s0 =	rddreg [dreg:$0x0];
	s2 =	stileid.u32  }
0x14d: {  	s1 =	rddreg [dreg:$0x1];
	p0 =	sne.s32 s2, $0x0  }
0x14e: {  	s3 =	rddreg [dreg:$0x2];
	[bflag:$0x3] =	sbarrier.arrive $0xFFFF;
	s2 =	simm.s32 @!p0 $0x1C03  }
0x14f: {  	[timem:s3], [sflag:s2] =	dma.local @!p0 [hbm:s0], s1  }
0x150: {  	s0 =	simm.s32 @!p0 $0x3  }
0x151: {  	_ =	swait.ge @!p0 [sflag:s0], s1  }
0x152: {  	s1 =	ssub.s32 @!p0 $0x0, s1;
	[sflag:s0] =	ssyncset.done @!p0 $0x0  }
0x153: {  	[sflag:s0] =	ssyncadd.s32 @!p0 s1  }
0x154: {  	[bflag:$0x3] =	sbarrier.arrive $0xFFFF  }
0x155: {  	_ =	shalt  }

</sc_bundles>
